<compile_context>
chip_gen: v7x
topology: tpu7x:2x2x1
jax: 0.10.2.dev20260603
libtpu: 0.0.44.dev20260713+nightly
codegen_flags: <defaults>
</compile_context>

<pallas_src>
import functools

import numpy as np
import jax
import jax.numpy as jnp
from jax import lax
from jax.experimental import pallas as pl
from jax.experimental.pallas import tpu as pltpu
from jax.experimental.pallas import tpu_sc as plsc

NUM_EMB = 1000000
EMB_DIM = 64
HASHED_SIZE = 100000
BATCH = 4096
BAG = 50

NUM_WORKERS = 32
ROWS_PER_W = BATCH * BAG // NUM_WORKERS
CHUNK = 2 * BAG
CHUNKS = ROWS_PER_W // CHUNK
ICHUNK = 128
ICHUNKS = ROWS_PER_W // ICHUNK
BAGS_PER_W = BATCH // NUM_WORKERS
NBUF = 4
RBUF = 8

_SLOT_NP = (
    (np.arange(ROWS_PER_W, dtype=np.int32) // BAG)[None, :]
    + (np.arange(16, dtype=np.int32) * BAGS_PER_W)[:, None]
).reshape(16, CHUNKS, CHUNK)


def _make_ids_kernel():
    mesh = plsc.VectorSubcoreMesh(core_axis_name="c", subcore_axis_name="s")

    @functools.partial(
        pl.kernel,
        mesh=mesh,
        out_type=jax.ShapeDtypeStruct((NUM_WORKERS, ICHUNKS, ICHUNK), jnp.int32),
        scratch_types=[
            pltpu.VMEM((ICHUNKS, ICHUNK), jnp.int32),
            pltpu.VMEM((ICHUNKS, ICHUNK), jnp.int32),
        ] + [pltpu.SemaphoreType.DMA] * NBUF,
        compiler_params=pltpu.CompilerParams(use_tc_tiling_on_sc=False),
    )
    def ids_kernel(x_hbm, wi_hbm, ids_hbm, x_v, ids_v, *sems):
        wid = lax.axis_index("s") * 2 + lax.axis_index("c")

        pltpu.sync_copy(x_hbm.at[wid], x_v)

        def fire(c, b):
            pltpu.async_copy(wi_hbm.at[x_v.at[c]], ids_v.at[c], sems[b])

        def wait(c, b):
            pltpu.make_async_copy(
                wi_hbm.at[x_v.at[c]], ids_v.at[c], sems[b]
            ).wait()

        for b in range(NBUF):
            fire(b, b)

        def body(c, carry):
            for b in range(NBUF):
                cc = c * NBUF + b
                wait(cc, b)

                @pl.when(cc + NBUF < ICHUNKS)
                def _next():
                    fire(cc + NBUF, b)

            return carry

        lax.fori_loop(0, ICHUNKS // NBUF, body, 0)
        for cc in range(ICHUNKS - ICHUNKS % NBUF, ICHUNKS):
            wait(cc, cc % NBUF)

        pltpu.sync_copy(ids_v, ids_hbm.at[wid])

    return ids_kernel


def _make_bag_kernel():
    mesh = plsc.VectorSubcoreMesh(core_axis_name="c", subcore_axis_name="s")

    @functools.partial(
        pl.kernel,
        mesh=mesh,
        out_type=jax.ShapeDtypeStruct((BATCH, EMB_DIM), jnp.float32),
        scratch_types=[
            pltpu.VMEM((CHUNKS, CHUNK), jnp.int32),
            pltpu.VMEM((CHUNKS, CHUNK), jnp.int32),
            pltpu.VMEM((RBUF, CHUNK, EMB_DIM), jnp.float32),
            pltpu.VMEM((BAGS_PER_W, EMB_DIM), jnp.float32),
            pltpu.VMEM_SHARED((16 * BAGS_PER_W, EMB_DIM), jnp.float32),
        ] + [pltpu.SemaphoreType.DMA] * (2 * RBUF),
        compiler_params=pltpu.CompilerParams(use_tc_tiling_on_sc=False),
    )
    def bag_kernel(ids_hbm, hw_hbm, slot_hbm, out_hbm,
                   ids_v, slot_v, rows_v, stage_v, acc_sh, *sems):
        sem_rows = sems[:RBUF]
        sem_sc = sems[RBUF:]
        cid = lax.axis_index("c")
        sid = lax.axis_index("s")
        wid = sid * 2 + cid

        pltpu.sync_copy(ids_hbm.at[wid], ids_v)
        pltpu.sync_copy(slot_hbm.at[sid], slot_v)

        zeros = jnp.zeros((16,), jnp.float32)

        def zero_body(r, carry):
            for k in range(EMB_DIM // 16):
                stage_v[r, pl.ds(k * 16, 16)] = zeros
            return carry

        lax.fori_loop(0, BAGS_PER_W, zero_body, 0)
        pltpu.sync_copy(stage_v, acc_sh.at[pl.ds(sid * BAGS_PER_W, BAGS_PER_W)])

        def fire_rows(c, b):
            pltpu.async_copy(
                hw_hbm.at[ids_v.at[c]], rows_v.at[b], sem_rows[b]
            )

        def wait_rows(c, b):
            pltpu.make_async_copy(
                hw_hbm.at[ids_v.at[c]], rows_v.at[b], sem_rows[b]
            ).wait()

        def fire_scatter(c, b):
            pltpu.async_copy(rows_v.at[b], acc_sh.at[slot_v.at[c]], sem_sc[b],
                             add=True)

        def wait_scatter(c, b):
            pltpu.make_async_copy(
                rows_v.at[b], acc_sh.at[slot_v.at[c]], sem_sc[b]
            ).wait()

        for b in range(RBUF):
            fire_rows(b, b)

        def group_body(g, carry):
            for u in range(RBUF):
                c = g * RBUF + u
                pu = (u - 1) % RBUF
                wait_rows(c, u)
                fire_scatter(c, u)

                @pl.when(c >= 1)
                def _retire_prev():
                    wait_scatter(c - 1, pu)

                    @pl.when(c - 1 + RBUF < CHUNKS)
                    def _refill():
                        fire_rows(c - 1 + RBUF, pu)

            return carry

        lax.fori_loop(0, CHUNKS // RBUF, group_body, 0)
        wait_scatter(CHUNKS - 1, (CHUNKS - 1) % RBUF)

        pltpu.sync_copy(
            stage_v.at[pl.ds(0, CHUNK)], acc_sh.at[slot_v.at[CHUNKS - 1]],
            add=True,
        )
        plsc.subcore_barrier()
        pltpu.sync_copy(acc_sh.at[pl.ds(sid * BAGS_PER_W, BAGS_PER_W)], stage_v)
        pltpu.sync_copy(stage_v, out_hbm.at[pl.ds(wid * BAGS_PER_W, BAGS_PER_W)])

    return bag_kernel


_IDS_KERNEL = _make_ids_kernel()
_BAG_KERNEL = _make_bag_kernel()


@jax.jit
def kernel(x, hashed_weight, weight_idx):
    xr = x.reshape(NUM_WORKERS, ICHUNKS, ICHUNK)
    slot = jnp.asarray(_SLOT_NP)
    ids = _IDS_KERNEL(xr, weight_idx)
    ids3 = ids.reshape(NUM_WORKERS, CHUNKS, CHUNK)
    return _BAG_KERNEL(ids3, hashed_weight, slot)

# --- scband reference (transcript-rebuilt; emitter-appended) ---
"""Pipeline reference for scband-hash-vector-embedding-bag-51711406244422 (READ-ONLY COPY).

The authoritative reference and input builder live on the scoring server;
editing this copy changes nothing except your own understanding.
"""

import jax, jax.numpy as jnp
import numpy as np

NUM_EMB = 1000000
EMB_DIM = 64
COMPRESSION = 0.1
HASHED_SIZE = max(int(NUM_EMB * COMPRESSION), 1)
BATCH = 4096
BAG = 50


def _hash_idx():
    # Deterministic stand-in for the xxhash-based index map: maps each of the
    # num_embeddings rows to an index in [0, HASHED_SIZE). Same structure as the
    # module's uni_hash_func (deterministic universal hash).
    i = np.arange(NUM_EMB, dtype=np.int64)
    idx = (i * 32452843) % 512927357 % HASHED_SIZE
    return jnp.asarray(idx.astype(np.int32))


def setup_inputs(seed: int = 0) -> dict:
    key = jax.random.key(seed)
    k1, k2 = jax.random.split(key)
    x = jax.random.randint(k1, (BATCH, BAG), 0, NUM_EMB, dtype=jnp.int32)
    bound = float(np.sqrt(1.0 / NUM_EMB))
    hashed_weight = jax.random.uniform(
        k2, (HASHED_SIZE, EMB_DIM), dtype=jnp.float32, minval=-bound, maxval=bound
    )
    weight_idx = _hash_idx()
    return {"x": x, "hashed_weight": hashed_weight, "weight_idx": weight_idx}


def reference(x, hashed_weight, weight_idx):
    # F.embedding_bag(x, hashed_weight[weight_idx, :], mode='sum') with 2D x:
    # each row of x is a bag; gather then reduce-sum over the bag dimension.
    table = jnp.take(hashed_weight, weight_idx, axis=0)  # [NUM_EMB, EMB_DIM]
    emb = jnp.take(table, x, axis=0)                     # [BATCH, BAG, EMB_DIM]
    out = jnp.sum(emb, axis=1)                           # [BATCH, EMB_DIM]
    return out

if __name__ == "__main__":
    import jax
    _d = setup_inputs()
    print(jax.jit(kernel)(*tuple(_d.values())))

</pallas_src>

<mosaic_0001>
#map = affine_map<(d0, d1) -> (0, 0, 0)>
#map1 = affine_map<(d0, d1) -> (0, 0)>
module attributes {stable_mosaic.version = 14 : i64} {
  func.func @bag_kernel(%arg0: i32, %arg1: i32, %arg2: memref<32x64x100xi32, #tpu.memory_space<hbm>>, %arg3: memref<100000x64xf32, #tpu.memory_space<hbm>>, %arg4: memref<16x64x100xi32, #tpu.memory_space<hbm>>, %arg5: memref<4096x64xf32, #tpu.memory_space<hbm>>, %arg6: memref<64x100xi32, #tpu.memory_space<vmem>>, %arg7: memref<64x100xi32, #tpu.memory_space<vmem>>, %arg8: memref<8x100x64xf32, #tpu.memory_space<vmem>>, %arg9: memref<128x64xf32, #tpu.memory_space<vmem>>, %arg10: memref<2048x64xf32, #tpu.memory_space<vmem_shared>>, %arg11: memref<!tpu.dma_semaphore, #tpu.memory_space<semaphore_mem>>, %arg12: memref<!tpu.dma_semaphore, #tpu.memory_space<semaphore_mem>>, %arg13: memref<!tpu.dma_semaphore, #tpu.memory_space<semaphore_mem>>, %arg14: memref<!tpu.dma_semaphore, #tpu.memory_space<semaphore_mem>>, %arg15: memref<!tpu.dma_semaphore, #tpu.memory_space<semaphore_mem>>, %arg16: memref<!tpu.dma_semaphore, #tpu.memory_space<semaphore_mem>>, %arg17: memref<!tpu.dma_semaphore, #tpu.memory_space<semaphore_mem>>, %arg18: memref<!tpu.dma_semaphore, #tpu.memory_space<semaphore_mem>>, %arg19: memref<!tpu.dma_semaphore, #tpu.memory_space<semaphore_mem>>, %arg20: memref<!tpu.dma_semaphore, #tpu.memory_space<semaphore_mem>>, %arg21: memref<!tpu.dma_semaphore, #tpu.memory_space<semaphore_mem>>, %arg22: memref<!tpu.dma_semaphore, #tpu.memory_space<semaphore_mem>>, %arg23: memref<!tpu.dma_semaphore, #tpu.memory_space<semaphore_mem>>, %arg24: memref<!tpu.dma_semaphore, #tpu.memory_space<semaphore_mem>>, %arg25: memref<!tpu.dma_semaphore, #tpu.memory_space<semaphore_mem>>, %arg26: memref<!tpu.dma_semaphore, #tpu.memory_space<semaphore_mem>>) attributes {dimension_semantics = [#tpu.dimension_semantics<core_parallel>, #tpu.dimension_semantics<subcore_parallel>], iteration_bounds = array<i64: 2, 16>, scalar_prefetch = 0 : i64, scratch_operands = 21 : i64, tpu.core_type = #tpu.core_type<sc_vector_subcore>, window_params = [{transform_indices = #map}, {transform_indices = #map1}, {transform_indices = #map}, {transform_indices = #map1}]} {
    %mul3A = arith.constant 2 : i32
    %mul3A_0 = arith.muli %arg1, %mul3A : i32
    %add3A = arith.addi %mul3A_0, %arg0 : i32
    "tpu.region"() ({
      %run_scoped3A_125 = tpu.sem_alloc : memref<!tpu.dma_semaphore, #tpu.memory_space<semaphore_mem>>
      %dma_start3A_126 = arith.constant 0 : i32
      %dma_start3A_127 = arith.constant 0 : i32
      %dma_start3A_128 = tpu.memref_slice %arg2[%add3A, %dma_start3A_126, %dma_start3A_127] : memref<32x64x100xi32, #tpu.memory_space<hbm>> -> memref<1x64x100xi32, #tpu.memory_space<hbm>>
      %dma_start3A_129 = tpu.memref_squeeze %dma_start3A_128 : memref<1x64x100xi32, #tpu.memory_space<hbm>> -> memref<64x100xi32, #tpu.memory_space<hbm>>
      %dma_start3A_130 = arith.constant 0 : i32
      %dma_start3A_131 = arith.constant 0 : i32
      %dma_start3A_132 = tpu.memref_slice %arg2[%add3A, %dma_start3A_130, %dma_start3A_131] : memref<32x64x100xi32, #tpu.memory_space<hbm>> -> memref<1x64x100xi32, #tpu.memory_space<hbm>>
      %dma_start3A_133 = tpu.memref_squeeze %dma_start3A_132 : memref<1x64x100xi32, #tpu.memory_space<hbm>> -> memref<64x100xi32, #tpu.memory_space<hbm>>
      tpu.enqueue_dma source(%dma_start3A_133 : memref<64x100xi32, #tpu.memory_space<hbm>>) target(%arg6 : memref<64x100xi32, #tpu.memory_space<vmem>>) target_semaphore(%run_scoped3A_125 : memref<!tpu.dma_semaphore, #tpu.memory_space<semaphore_mem>>)
      %dma_wait3A_134 = arith.constant 0 : i32
      %dma_wait3A_135 = arith.constant 0 : i32
      %dma_wait3A_136 = tpu.memref_slice %arg2[%add3A, %dma_wait3A_134, %dma_wait3A_135] : memref<32x64x100xi32, #tpu.memory_space<hbm>> -> memref<1x64x100xi32, #tpu.memory_space<hbm>>
      %dma_wait3A_137 = tpu.memref_squeeze %dma_wait3A_136 : memref<1x64x100xi32, #tpu.memory_space<hbm>> -> memref<64x100xi32, #tpu.memory_space<hbm>>
      %dma_wait3A_138 = arith.constant 0 : i32
      %dma_wait3A_139 = arith.constant 0 : i32
      %dma_wait3A_140 = tpu.memref_slice %arg2[%add3A, %dma_wait3A_138, %dma_wait3A_139] : memref<32x64x100xi32, #tpu.memory_space<hbm>> -> memref<1x64x100xi32, #tpu.memory_space<hbm>>
      %dma_wait3A_141 = tpu.memref_squeeze %dma_wait3A_140 : memref<1x64x100xi32, #tpu.memory_space<hbm>> -> memref<64x100xi32, #tpu.memory_space<hbm>>
      tpu.wait_dma2 semaphore(%run_scoped3A_125 : memref<!tpu.dma_semaphore, #tpu.memory_space<semaphore_mem>>) src(%dma_wait3A_141 : memref<64x100xi32, #tpu.memory_space<hbm>>) dst(%arg6 : memref<64x100xi32, #tpu.memory_space<vmem>>)
      tpu.yield
    }) : () -> ()
    "tpu.region"() ({
      %run_scoped3A_125 = tpu.sem_alloc : memref<!tpu.dma_semaphore, #tpu.memory_space<semaphore_mem>>
      %dma_start3A_126 = arith.constant 0 : i32
      %dma_start3A_127 = arith.constant 0 : i32
      %dma_start3A_128 = tpu.memref_slice %arg4[%arg1, %dma_start3A_126, %dma_start3A_127] : memref<16x64x100xi32, #tpu.memory_space<hbm>> -> memref<1x64x100xi32, #tpu.memory_space<hbm>>
      %dma_start3A_129 = tpu.memref_squeeze %dma_start3A_128 : memref<1x64x100xi32, #tpu.memory_space<hbm>> -> memref<64x100xi32, #tpu.memory_space<hbm>>
      %dma_start3A_130 = arith.constant 0 : i32
      %dma_start3A_131 = arith.constant 0 : i32
      %dma_start3A_132 = tpu.memref_slice %arg4[%arg1, %dma_start3A_130, %dma_start3A_131] : memref<16x64x100xi32, #tpu.memory_space<hbm>> -> memref<1x64x100xi32, #tpu.memory_space<hbm>>
      %dma_start3A_133 = tpu.memref_squeeze %dma_start3A_132 : memref<1x64x100xi32, #tpu.memory_space<hbm>> -> memref<64x100xi32, #tpu.memory_space<hbm>>
      tpu.enqueue_dma source(%dma_start3A_133 : memref<64x100xi32, #tpu.memory_space<hbm>>) target(%arg7 : memref<64x100xi32, #tpu.memory_space<vmem>>) target_semaphore(%run_scoped3A_125 : memref<!tpu.dma_semaphore, #tpu.memory_space<semaphore_mem>>)
      %dma_wait3A_134 = arith.constant 0 : i32
      %dma_wait3A_135 = arith.constant 0 : i32
      %dma_wait3A_136 = tpu.memref_slice %arg4[%arg1, %dma_wait3A_134, %dma_wait3A_135] : memref<16x64x100xi32, #tpu.memory_space<hbm>> -> memref<1x64x100xi32, #tpu.memory_space<hbm>>
      %dma_wait3A_137 = tpu.memref_squeeze %dma_wait3A_136 : memref<1x64x100xi32, #tpu.memory_space<hbm>> -> memref<64x100xi32, #tpu.memory_space<hbm>>
      %dma_wait3A_138 = arith.constant 0 : i32
      %dma_wait3A_139 = arith.constant 0 : i32
      %dma_wait3A_140 = tpu.memref_slice %arg4[%arg1, %dma_wait3A_138, %dma_wait3A_139] : memref<16x64x100xi32, #tpu.memory_space<hbm>> -> memref<1x64x100xi32, #tpu.memory_space<hbm>>
      %dma_wait3A_141 = tpu.memref_squeeze %dma_wait3A_140 : memref<1x64x100xi32, #tpu.memory_space<hbm>> -> memref<64x100xi32, #tpu.memory_space<hbm>>
      tpu.wait_dma2 semaphore(%run_scoped3A_125 : memref<!tpu.dma_semaphore, #tpu.memory_space<semaphore_mem>>) src(%dma_wait3A_141 : memref<64x100xi32, #tpu.memory_space<hbm>>) dst(%arg7 : memref<64x100xi32, #tpu.memory_space<vmem>>)
      tpu.yield
    }) : () -> ()
    %broadcast_in_dim3A = arith.constant 0.000000e+00 : f32
    %broadcast_in_dim3A_1 = vector.broadcast %broadcast_in_dim3A : f32 to vector<16xf32>
    %scan3A = arith.constant 0 : i32
    %scan3A_2 = arith.constant 0 : i32
    %scan3A_3 = arith.constant 128 : i32
    %scan3A_4 = arith.addi %scan3A_2, %scan3A_3 : i32
    %scan3A_5 = arith.constant 1 : i32
    scf.for %scan3A_125 = %scan3A_2 to %scan3A_4 step %scan3A_5  : i32 {
      %swap3A = arith.index_cast %scan3A_125 : i32 to index
      %swap3A_126 = arith.constant 0 : index
      %swap3A_127 = tpu.vector_load %arg9[%swap3A, %swap3A_126] {strides = array<i32>} : memref<128x64xf32, #tpu.memory_space<vmem>>, vector<1x16xf32>,
      %swap3A_128 = vector.shape_cast %swap3A_127 : vector<1x16xf32> to vector<16xf32>
      %swap3A_129 = vector.shape_cast %broadcast_in_dim3A_1 : vector<16xf32> to vector<1x16xf32>
      tpu.vector_store %arg9[%swap3A, %swap3A_126], %swap3A_129 {strides = array<i32>} : memref<128x64xf32, #tpu.memory_space<vmem>>, vector<1x16xf32>,
      %swap3A_130 = arith.index_cast %scan3A_125 : i32 to index
      %swap3A_131 = arith.constant 16 : index
      %swap3A_132 = tpu.vector_load %arg9[%swap3A_130, %swap3A_131] {strides = array<i32>} : memref<128x64xf32, #tpu.memory_space<vmem>>, vector<1x16xf32>,
      %swap3A_133 = vector.shape_cast %swap3A_132 : vector<1x16xf32> to vector<16xf32>
      %swap3A_134 = vector.shape_cast %broadcast_in_dim3A_1 : vector<16xf32> to vector<1x16xf32>
      tpu.vector_store %arg9[%swap3A_130, %swap3A_131], %swap3A_134 {strides = array<i32>} : memref<128x64xf32, #tpu.memory_space<vmem>>, vector<1x16xf32>,
      %swap3A_135 = arith.index_cast %scan3A_125 : i32 to index
      %swap3A_136 = arith.constant 32 : index
      %swap3A_137 = tpu.vector_load %arg9[%swap3A_135, %swap3A_136] {strides = array<i32>} : memref<128x64xf32, #tpu.memory_space<vmem>>, vector<1x16xf32>,
      %swap3A_138 = vector.shape_cast %swap3A_137 : vector<1x16xf32> to vector<16xf32>
      %swap3A_139 = vector.shape_cast %broadcast_in_dim3A_1 : vector<16xf32> to vector<1x16xf32>
      tpu.vector_store %arg9[%swap3A_135, %swap3A_136], %swap3A_139 {strides = array<i32>} : memref<128x64xf32, #tpu.memory_space<vmem>>, vector<1x16xf32>,
      %swap3A_140 = arith.index_cast %scan3A_125 : i32 to index
      %swap3A_141 = arith.constant 48 : index
      %swap3A_142 = tpu.vector_load %arg9[%swap3A_140, %swap3A_141] {strides = array<i32>} : memref<128x64xf32, #tpu.memory_space<vmem>>, vector<1x16xf32>,
      %swap3A_143 = vector.shape_cast %swap3A_142 : vector<1x16xf32> to vector<16xf32>
      %swap3A_144 = vector.shape_cast %broadcast_in_dim3A_1 : vector<16xf32> to vector<1x16xf32>
      tpu.vector_store %arg9[%swap3A_140, %swap3A_141], %swap3A_144 {strides = array<i32>} : memref<128x64xf32, #tpu.memory_space<vmem>>, vector<1x16xf32>,
    }
    %scan3A_6 = arith.constant 128 : i32
    %mul3A_7 = arith.constant 128 : i32
    %mul3A_8 = arith.muli %arg1, %mul3A_7 : i32
    "tpu.region"() ({
      %run_scoped3A_125 = tpu.sem_alloc : memref<!tpu.dma_semaphore, #tpu.memory_space<semaphore_mem>>
      %dma_start3A_126 = arith.constant 0 : i32
      %dma_start3A_127 = tpu.memref_slice %arg10[%mul3A_8, %dma_start3A_126] : memref<2048x64xf32, #tpu.memory_space<vmem_shared>> -> memref<128x64xf32, #tpu.memory_space<vmem_shared>>
      %dma_start3A_128 = arith.constant 0 : i32
      %dma_start3A_129 = tpu.memref_slice %arg10[%mul3A_8, %dma_start3A_128] : memref<2048x64xf32, #tpu.memory_space<vmem_shared>> -> memref<128x64xf32, #tpu.memory_space<vmem_shared>>
      tpu.enqueue_dma source(%arg9 : memref<128x64xf32, #tpu.memory_space<vmem>>) target(%dma_start3A_129 : memref<128x64xf32, #tpu.memory_space<vmem_shared>>) target_semaphore(%run_scoped3A_125 : memref<!tpu.dma_semaphore, #tpu.memory_space<semaphore_mem>>)
      %dma_wait3A_130 = arith.constant 0 : i32
      %dma_wait3A_131 = tpu.memref_slice %arg10[%mul3A_8, %dma_wait3A_130] : memref<2048x64xf32, #tpu.memory_space<vmem_shared>> -> memref<128x64xf32, #tpu.memory_space<vmem_shared>>
      %dma_wait3A_132 = arith.constant 0 : i32
      %dma_wait3A_133 = tpu.memref_slice %arg10[%mul3A_8, %dma_wait3A_132] : memref<2048x64xf32, #tpu.memory_space<vmem_shared>> -> memref<128x64xf32, #tpu.memory_space<vmem_shared>>
      tpu.wait_dma2 semaphore(%run_scoped3A_125 : memref<!tpu.dma_semaphore, #tpu.memory_space<semaphore_mem>>) src(%arg9 : memref<128x64xf32, #tpu.memory_space<vmem>>) dst(%dma_wait3A_133 : memref<128x64xf32, #tpu.memory_space<vmem_shared>>)
      tpu.yield
    }) : () -> ()
    %dma_start3A = arith.constant 0 : i32
    %dma_start3A_9 = arith.constant 0 : i32
    %dma_start3A_10 = arith.constant 0 : i32
    %dma_start3A_11 = arith.constant 0 : i32
    %dma_start3A_12 = tpu.memref_slice %arg8[%dma_start3A_9, %dma_start3A_10, %dma_start3A_11] : memref<8x100x64xf32, #tpu.memory_space<vmem>> -> memref<1x100x64xf32, #tpu.memory_space<vmem>>
    %dma_start3A_13 = tpu.memref_squeeze %dma_start3A_12 : memref<1x100x64xf32, #tpu.memory_space<vmem>> -> memref<100x64xf32, #tpu.memory_space<vmem>>
    %dma_start3A_14 = arith.constant 0 : i32
    %dma_start3A_15 = tpu.memref_slice %arg6[%dma_start3A, %dma_start3A_14] : memref<64x100xi32, #tpu.memory_space<vmem>> -> memref<1x100xi32, #tpu.memory_space<vmem>>
    %dma_start3A_16 = tpu.memref_squeeze %dma_start3A_15 : memref<1x100xi32, #tpu.memory_space<vmem>> -> memref<100xi32, #tpu.memory_space<vmem>>
    %dma_start3A_17 = arith.constant 0 : i32
    %dma_start3A_18 = arith.constant 0 : i32
    %dma_start3A_19 = tpu.memref_slice %arg3[%dma_start3A_17, %dma_start3A_18] : memref<100000x64xf32, #tpu.memory_space<hbm>> -> memref<100000x64xf32, #tpu.memory_space<hbm>>
    tpu.enqueue_indirect_dma source(%dma_start3A_19 : memref<100000x64xf32, #tpu.memory_space<hbm>>) target(%dma_start3A_13 : memref<100x64xf32, #tpu.memory_space<vmem>>) offsets(%dma_start3A_16 : memref<100xi32, #tpu.memory_space<vmem>>) semaphore(%arg11 : memref<!tpu.dma_semaphore, #tpu.memory_space<semaphore_mem>>)
    %dma_start3A_20 = arith.constant 1 : i32
    %dma_start3A_21 = arith.constant 1 : i32
    %dma_start3A_22 = arith.constant 0 : i32
    %dma_start3A_23 = arith.constant 0 : i32
    %dma_start3A_24 = tpu.memref_slice %arg8[%dma_start3A_21, %dma_start3A_22, %dma_start3A_23] : memref<8x100x64xf32, #tpu.memory_space<vmem>> -> memref<1x100x64xf32, #tpu.memory_space<vmem>>
    %dma_start3A_25 = tpu.memref_squeeze %dma_start3A_24 : memref<1x100x64xf32, #tpu.memory_space<vmem>> -> memref<100x64xf32, #tpu.memory_space<vmem>>
    %dma_start3A_26 = arith.constant 0 : i32
    %dma_start3A_27 = tpu.memref_slice %arg6[%dma_start3A_20, %dma_start3A_26] : memref<64x100xi32, #tpu.memory_space<vmem>> -> memref<1x100xi32, #tpu.memory_space<vmem>>
    %dma_start3A_28 = tpu.memref_squeeze %dma_start3A_27 : memref<1x100xi32, #tpu.memory_space<vmem>> -> memref<100xi32, #tpu.memory_space<vmem>>
    %dma_start3A_29 = arith.constant 0 : i32
    %dma_start3A_30 = arith.constant 0 : i32
    %dma_start3A_31 = tpu.memref_slice %arg3[%dma_start3A_29, %dma_start3A_30] : memref<100000x64xf32, #tpu.memory_space<hbm>> -> memref<100000x64xf32, #tpu.memory_space<hbm>>
    tpu.enqueue_indirect_dma source(%dma_start3A_31 : memref<100000x64xf32, #tpu.memory_space<hbm>>) target(%dma_start3A_25 : memref<100x64xf32, #tpu.memory_space<vmem>>) offsets(%dma_start3A_28 : memref<100xi32, #tpu.memory_space<vmem>>) semaphore(%arg12 : memref<!tpu.dma_semaphore, #tpu.memory_space<semaphore_mem>>)
    %dma_start3A_32 = arith.constant 2 : i32
    %dma_start3A_33 = arith.constant 2 : i32
    %dma_start3A_34 = arith.constant 0 : i32
    %dma_start3A_35 = arith.constant 0 : i32
    %dma_start3A_36 = tpu.memref_slice %arg8[%dma_start3A_33, %dma_start3A_34, %dma_start3A_35] : memref<8x100x64xf32, #tpu.memory_space<vmem>> -> memref<1x100x64xf32, #tpu.memory_space<vmem>>
    %dma_start3A_37 = tpu.memref_squeeze %dma_start3A_36 : memref<1x100x64xf32, #tpu.memory_space<vmem>> -> memref<100x64xf32, #tpu.memory_space<vmem>>
    %dma_start3A_38 = arith.constant 0 : i32
    %dma_start3A_39 = tpu.memref_slice %arg6[%dma_start3A_32, %dma_start3A_38] : memref<64x100xi32, #tpu.memory_space<vmem>> -> memref<1x100xi32, #tpu.memory_space<vmem>>
    %dma_start3A_40 = tpu.memref_squeeze %dma_start3A_39 : memref<1x100xi32, #tpu.memory_space<vmem>> -> memref<100xi32, #tpu.memory_space<vmem>>
    %dma_start3A_41 = arith.constant 0 : i32
    %dma_start3A_42 = arith.constant 0 : i32
    %dma_start3A_43 = tpu.memref_slice %arg3[%dma_start3A_41, %dma_start3A_42] : memref<100000x64xf32, #tpu.memory_space<hbm>> -> memref<100000x64xf32, #tpu.memory_space<hbm>>
    tpu.enqueue_indirect_dma source(%dma_start3A_43 : memref<100000x64xf32, #tpu.memory_space<hbm>>) target(%dma_start3A_37 : memref<100x64xf32, #tpu.memory_space<vmem>>) offsets(%dma_start3A_40 : memref<100xi32, #tpu.memory_space<vmem>>) semaphore(%arg13 : memref<!tpu.dma_semaphore, #tpu.memory_space<semaphore_mem>>)
    %dma_start3A_44 = arith.constant 3 : i32
    %dma_start3A_45 = arith.constant 3 : i32
    %dma_start3A_46 = arith.constant 0 : i32
    %dma_start3A_47 = arith.constant 0 : i32
    %dma_start3A_48 = tpu.memref_slice %arg8[%dma_start3A_45, %dma_start3A_46, %dma_start3A_47] : memref<8x100x64xf32, #tpu.memory_space<vmem>> -> memref<1x100x64xf32, #tpu.memory_space<vmem>>
    %dma_start3A_49 = tpu.memref_squeeze %dma_start3A_48 : memref<1x100x64xf32, #tpu.memory_space<vmem>> -> memref<100x64xf32, #tpu.memory_space<vmem>>
    %dma_start3A_50 = arith.constant 0 : i32
    %dma_start3A_51 = tpu.memref_slice %arg6[%dma_start3A_44, %dma_start3A_50] : memref<64x100xi32, #tpu.memory_space<vmem>> -> memref<1x100xi32, #tpu.memory_space<vmem>>
    %dma_start3A_52 = tpu.memref_squeeze %dma_start3A_51 : memref<1x100xi32, #tpu.memory_space<vmem>> -> memref<100xi32, #tpu.memory_space<vmem>>
    %dma_start3A_53 = arith.constant 0 : i32
    %dma_start3A_54 = arith.constant 0 : i32
    %dma_start3A_55 = tpu.memref_slice %arg3[%dma_start3A_53, %dma_start3A_54] : memref<100000x64xf32, #tpu.memory_space<hbm>> -> memref<100000x64xf32, #tpu.memory_space<hbm>>
    tpu.enqueue_indirect_dma source(%dma_start3A_55 : memref<100000x64xf32, #tpu.memory_space<hbm>>) target(%dma_start3A_49 : memref<100x64xf32, #tpu.memory_space<vmem>>) offsets(%dma_start3A_52 : memref<100xi32, #tpu.memory_space<vmem>>) semaphore(%arg14 : memref<!tpu.dma_semaphore, #tpu.memory_space<semaphore_mem>>)
    %dma_start3A_56 = arith.constant 4 : i32
    %dma_start3A_57 = arith.constant 4 : i32
    %dma_start3A_58 = arith.constant 0 : i32
    %dma_start3A_59 = arith.constant 0 : i32
    %dma_start3A_60 = tpu.memref_slice %arg8[%dma_start3A_57, %dma_start3A_58, %dma_start3A_59] : memref<8x100x64xf32, #tpu.memory_space<vmem>> -> memref<1x100x64xf32, #tpu.memory_space<vmem>>
    %dma_start3A_61 = tpu.memref_squeeze %dma_start3A_60 : memref<1x100x64xf32, #tpu.memory_space<vmem>> -> memref<100x64xf32, #tpu.memory_space<vmem>>
    %dma_start3A_62 = arith.constant 0 : i32
    %dma_start3A_63 = tpu.memref_slice %arg6[%dma_start3A_56, %dma_start3A_62] : memref<64x100xi32, #tpu.memory_space<vmem>> -> memref<1x100xi32, #tpu.memory_space<vmem>>
    %dma_start3A_64 = tpu.memref_squeeze %dma_start3A_63 : memref<1x100xi32, #tpu.memory_space<vmem>> -> memref<100xi32, #tpu.memory_space<vmem>>
    %dma_start3A_65 = arith.constant 0 : i32
    %dma_start3A_66 = arith.constant 0 : i32
    %dma_start3A_67 = tpu.memref_slice %arg3[%dma_start3A_65, %dma_start3A_66] : memref<100000x64xf32, #tpu.memory_space<hbm>> -> memref<100000x64xf32, #tpu.memory_space<hbm>>
    tpu.enqueue_indirect_dma source(%dma_start3A_67 : memref<100000x64xf32, #tpu.memory_space<hbm>>) target(%dma_start3A_61 : memref<100x64xf32, #tpu.memory_space<vmem>>) offsets(%dma_start3A_64 : memref<100xi32, #tpu.memory_space<vmem>>) semaphore(%arg15 : memref<!tpu.dma_semaphore, #tpu.memory_space<semaphore_mem>>)
    %dma_start3A_68 = arith.constant 5 : i32
    %dma_start3A_69 = arith.constant 5 : i32
    %dma_start3A_70 = arith.constant 0 : i32
    %dma_start3A_71 = arith.constant 0 : i32
    %dma_start3A_72 = tpu.memref_slice %arg8[%dma_start3A_69, %dma_start3A_70, %dma_start3A_71] : memref<8x100x64xf32, #tpu.memory_space<vmem>> -> memref<1x100x64xf32, #tpu.memory_space<vmem>>
    %dma_start3A_73 = tpu.memref_squeeze %dma_start3A_72 : memref<1x100x64xf32, #tpu.memory_space<vmem>> -> memref<100x64xf32, #tpu.memory_space<vmem>>
    %dma_start3A_74 = arith.constant 0 : i32
    %dma_start3A_75 = tpu.memref_slice %arg6[%dma_start3A_68, %dma_start3A_74] : memref<64x100xi32, #tpu.memory_space<vmem>> -> memref<1x100xi32, #tpu.memory_space<vmem>>
    %dma_start3A_76 = tpu.memref_squeeze %dma_start3A_75 : memref<1x100xi32, #tpu.memory_space<vmem>> -> memref<100xi32, #tpu.memory_space<vmem>>
    %dma_start3A_77 = arith.constant 0 : i32
    %dma_start3A_78 = arith.constant 0 : i32
    %dma_start3A_79 = tpu.memref_slice %arg3[%dma_start3A_77, %dma_start3A_78] : memref<100000x64xf32, #tpu.memory_space<hbm>> -> memref<100000x64xf32, #tpu.memory_space<hbm>>
    tpu.enqueue_indirect_dma source(%dma_start3A_79 : memref<100000x64xf32, #tpu.memory_space<hbm>>) target(%dma_start3A_73 : memref<100x64xf32, #tpu.memory_space<vmem>>) offsets(%dma_start3A_76 : memref<100xi32, #tpu.memory_space<vmem>>) semaphore(%arg16 : memref<!tpu.dma_semaphore, #tpu.memory_space<semaphore_mem>>)
    %dma_start3A_80 = arith.constant 6 : i32
    %dma_start3A_81 = arith.constant 6 : i32
    %dma_start3A_82 = arith.constant 0 : i32
    %dma_start3A_83 = arith.constant 0 : i32
    %dma_start3A_84 = tpu.memref_slice %arg8[%dma_start3A_81, %dma_start3A_82, %dma_start3A_83] : memref<8x100x64xf32, #tpu.memory_space<vmem>> -> memref<1x100x64xf32, #tpu.memory_space<vmem>>
    %dma_start3A_85 = tpu.memref_squeeze %dma_start3A_84 : memref<1x100x64xf32, #tpu.memory_space<vmem>> -> memref<100x64xf32, #tpu.memory_space<vmem>>
    %dma_start3A_86 = arith.constant 0 : i32
    %dma_start3A_87 = tpu.memref_slice %arg6[%dma_start3A_80, %dma_start3A_86] : memref<64x100xi32, #tpu.memory_space<vmem>> -> memref<1x100xi32, #tpu.memory_space<vmem>>
    %dma_start3A_88 = tpu.memref_squeeze %dma_start3A_87 : memref<1x100xi32, #tpu.memory_space<vmem>> -> memref<100xi32, #tpu.memory_space<vmem>>
    %dma_start3A_89 = arith.constant 0 : i32
    %dma_start3A_90 = arith.constant 0 : i32
    %dma_start3A_91 = tpu.memref_slice %arg3[%dma_start3A_89, %dma_start3A_90] : memref<100000x64xf32, #tpu.memory_space<hbm>> -> memref<100000x64xf32, #tpu.memory_space<hbm>>
    tpu.enqueue_indirect_dma source(%dma_start3A_91 : memref<100000x64xf32, #tpu.memory_space<hbm>>) target(%dma_start3A_85 : memref<100x64xf32, #tpu.memory_space<vmem>>) offsets(%dma_start3A_88 : memref<100xi32, #tpu.memory_space<vmem>>) semaphore(%arg17 : memref<!tpu.dma_semaphore, #tpu.memory_space<semaphore_mem>>)
    %dma_start3A_92 = arith.constant 7 : i32
    %dma_start3A_93 = arith.constant 7 : i32
    %dma_start3A_94 = arith.constant 0 : i32
    %dma_start3A_95 = arith.constant 0 : i32
    %dma_start3A_96 = tpu.memref_slice %arg8[%dma_start3A_93, %dma_start3A_94, %dma_start3A_95] : memref<8x100x64xf32, #tpu.memory_space<vmem>> -> memref<1x100x64xf32, #tpu.memory_space<vmem>>
    %dma_start3A_97 = tpu.memref_squeeze %dma_start3A_96 : memref<1x100x64xf32, #tpu.memory_space<vmem>> -> memref<100x64xf32, #tpu.memory_space<vmem>>
    %dma_start3A_98 = arith.constant 0 : i32
    %dma_start3A_99 = tpu.memref_slice %arg6[%dma_start3A_92, %dma_start3A_98] : memref<64x100xi32, #tpu.memory_space<vmem>> -> memref<1x100xi32, #tpu.memory_space<vmem>>
    %dma_start3A_100 = tpu.memref_squeeze %dma_start3A_99 : memref<1x100xi32, #tpu.memory_space<vmem>> -> memref<100xi32, #tpu.memory_space<vmem>>
    %dma_start3A_101 = arith.constant 0 : i32
    %dma_start3A_102 = arith.constant 0 : i32
    %dma_start3A_103 = tpu.memref_slice %arg3[%dma_start3A_101, %dma_start3A_102] : memref<100000x64xf32, #tpu.memory_space<hbm>> -> memref<100000x64xf32, #tpu.memory_space<hbm>>
    tpu.enqueue_indirect_dma source(%dma_start3A_103 : memref<100000x64xf32, #tpu.memory_space<hbm>>) target(%dma_start3A_97 : memref<100x64xf32, #tpu.memory_space<vmem>>) offsets(%dma_start3A_100 : memref<100xi32, #tpu.memory_space<vmem>>) semaphore(%arg18 : memref<!tpu.dma_semaphore, #tpu.memory_space<semaphore_mem>>)
    %scan3A_104 = arith.constant 0 : i32
    %scan3A_105 = arith.constant 0 : i32
    %scan3A_106 = arith.constant 8 : i32
    %scan3A_107 = arith.addi %scan3A_105, %scan3A_106 : i32
    %scan3A_108 = arith.constant 1 : i32
    scf.for %scan3A_125 = %scan3A_105 to %scan3A_107 step %scan3A_108  : i32 {
      %mul3A_126 = arith.constant 8 : i32
      %mul3A_127 = arith.muli %scan3A_125, %mul3A_126 : i32
      %add3A_128 = arith.constant 0 : i32
      %add3A_129 = arith.addi %mul3A_127, %add3A_128 : i32
      %dma_wait3A_130 = arith.constant 0 : i32
      %dma_wait3A_131 = arith.constant 0 : i32
      %dma_wait3A_132 = arith.constant 0 : i32
      %dma_wait3A_133 = tpu.memref_slice %arg8[%dma_wait3A_130, %dma_wait3A_131, %dma_wait3A_132] : memref<8x100x64xf32, #tpu.memory_space<vmem>> -> memref<1x100x64xf32, #tpu.memory_space<vmem>>
      %dma_wait3A_134 = tpu.memref_squeeze %dma_wait3A_133 : memref<1x100x64xf32, #tpu.memory_space<vmem>> -> memref<100x64xf32, #tpu.memory_space<vmem>>
      %dma_wait3A_135 = arith.constant 0 : i32
      %dma_wait3A_136 = tpu.memref_slice %arg6[%add3A_129, %dma_wait3A_135] : memref<64x100xi32, #tpu.memory_space<vmem>> -> memref<1x100xi32, #tpu.memory_space<vmem>>
      %dma_wait3A_137 = tpu.memref_squeeze %dma_wait3A_136 : memref<1x100xi32, #tpu.memory_space<vmem>> -> memref<100xi32, #tpu.memory_space<vmem>>
      %dma_wait3A_138 = arith.constant 0 : i32
      %dma_wait3A_139 = arith.constant 0 : i32
      %dma_wait3A_140 = tpu.memref_slice %arg3[%dma_wait3A_138, %dma_wait3A_139] : memref<100000x64xf32, #tpu.memory_space<hbm>> -> memref<100000x64xf32, #tpu.memory_space<hbm>>
      tpu.wait_indirect_dma semaphore(%arg11 : memref<!tpu.dma_semaphore, #tpu.memory_space<semaphore_mem>>) src(%dma_wait3A_140 : memref<100000x64xf32, #tpu.memory_space<hbm>>) dst(%dma_wait3A_134 : memref<100x64xf32, #tpu.memory_space<vmem>>)
      %dma_start3A_141 = arith.constant 0 : i32
      %dma_start3A_142 = arith.constant 0 : i32
      %dma_start3A_143 = arith.constant 0 : i32
      %dma_start3A_144 = tpu.memref_slice %arg8[%dma_start3A_141, %dma_start3A_142, %dma_start3A_143] : memref<8x100x64xf32, #tpu.memory_space<vmem>> -> memref<1x100x64xf32, #tpu.memory_space<vmem>>
      %dma_start3A_145 = tpu.memref_squeeze %dma_start3A_144 : memref<1x100x64xf32, #tpu.memory_space<vmem>> -> memref<100x64xf32, #tpu.memory_space<vmem>>
      %dma_start3A_146 = arith.constant 0 : i32
      %dma_start3A_147 = tpu.memref_slice %arg7[%add3A_129, %dma_start3A_146] : memref<64x100xi32, #tpu.memory_space<vmem>> -> memref<1x100xi32, #tpu.memory_space<vmem>>
      %dma_start3A_148 = tpu.memref_squeeze %dma_start3A_147 : memref<1x100xi32, #tpu.memory_space<vmem>> -> memref<100xi32, #tpu.memory_space<vmem>>
      %dma_start3A_149 = arith.constant 0 : i32
      %dma_start3A_150 = arith.constant 0 : i32
      %dma_start3A_151 = tpu.memref_slice %arg10[%dma_start3A_149, %dma_start3A_150] : memref<2048x64xf32, #tpu.memory_space<vmem_shared>> -> memref<2048x64xf32, #tpu.memory_space<vmem_shared>>
      tpu.enqueue_indirect_dma source(%dma_start3A_145 : memref<100x64xf32, #tpu.memory_space<vmem>>) target(%dma_start3A_151 : memref<2048x64xf32, #tpu.memory_space<vmem_shared>>) offsets(%dma_start3A_148 : memref<100xi32, #tpu.memory_space<vmem>>) semaphore(%arg19 : memref<!tpu.dma_semaphore, #tpu.memory_space<semaphore_mem>>) {add = true}
      %ge3A = arith.constant 1 : i32
      %ge3A_152 = arith.cmpi sge, %add3A_129, %ge3A : i32
      %convert_element_type3A = arith.extui %ge3A_152 : i1 to i32
      %cond3A = arith.constant 0 : i32
      %cond3A_153 = arith.cmpi ne, %convert_element_type3A, %cond3A : i32
      scf.if %cond3A_153 {
        %sub3A = arith.constant 1 : i32
        %sub3A_371 = arith.subi %add3A_129, %sub3A : i32
        %dma_wait3A_372 = arith.constant 7 : i32
        %dma_wait3A_373 = arith.constant 0 : i32
        %dma_wait3A_374 = arith.constant 0 : i32
        %dma_wait3A_375 = tpu.memref_slice %arg8[%dma_wait3A_372, %dma_wait3A_373, %dma_wait3A_374] : memref<8x100x64xf32, #tpu.memory_space<vmem>> -> memref<1x100x64xf32, #tpu.memory_space<vmem>>
        %dma_wait3A_376 = tpu.memref_squeeze %dma_wait3A_375 : memref<1x100x64xf32, #tpu.memory_space<vmem>> -> memref<100x64xf32, #tpu.memory_space<vmem>>
        %dma_wait3A_377 = arith.constant 0 : i32
        %dma_wait3A_378 = tpu.memref_slice %arg7[%sub3A_371, %dma_wait3A_377] : memref<64x100xi32, #tpu.memory_space<vmem>> -> memref<1x100xi32, #tpu.memory_space<vmem>>
        %dma_wait3A_379 = tpu.memref_squeeze %dma_wait3A_378 : memref<1x100xi32, #tpu.memory_space<vmem>> -> memref<100xi32, #tpu.memory_space<vmem>>
        %dma_wait3A_380 = arith.constant 0 : i32
        %dma_wait3A_381 = arith.constant 0 : i32
        %dma_wait3A_382 = tpu.memref_slice %arg10[%dma_wait3A_380, %dma_wait3A_381] : memref<2048x64xf32, #tpu.memory_space<vmem_shared>> -> memref<2048x64xf32, #tpu.memory_space<vmem_shared>>
        tpu.wait_indirect_dma semaphore(%arg26 : memref<!tpu.dma_semaphore, #tpu.memory_space<semaphore_mem>>) src(%dma_wait3A_376 : memref<100x64xf32, #tpu.memory_space<vmem>>) dst(%dma_wait3A_382 : memref<2048x64xf32, #tpu.memory_space<vmem_shared>>)
        %sub3A_383 = arith.constant 1 : i32
        %sub3A_384 = arith.subi %add3A_129, %sub3A_383 : i32
        %add3A_385 = arith.constant 8 : i32
        %add3A_386 = arith.addi %sub3A_384, %add3A_385 : i32
        %lt3A = arith.constant 64 : i32
        %lt3A_387 = arith.cmpi slt, %add3A_386, %lt3A : i32
        %convert_element_type3A_388 = arith.extui %lt3A_387 : i1 to i32
        %cond3A_389 = arith.constant 0 : i32
        %cond3A_390 = arith.cmpi ne, %convert_element_type3A_388, %cond3A_389 : i32
        scf.if %cond3A_390 {
          %sub3A_391 = arith.constant 1 : i32
          %sub3A_392 = arith.subi %add3A_129, %sub3A_391 : i32
          %add3A_393 = arith.constant 8 : i32
          %add3A_394 = arith.addi %sub3A_392, %add3A_393 : i32
          %dma_start3A_395 = arith.constant 7 : i32
          %dma_start3A_396 = arith.constant 0 : i32
          %dma_start3A_397 = arith.constant 0 : i32
          %dma_start3A_398 = tpu.memref_slice %arg8[%dma_start3A_395, %dma_start3A_396, %dma_start3A_397] : memref<8x100x64xf32, #tpu.memory_space<vmem>> -> memref<1x100x64xf32, #tpu.memory_space<vmem>>
          %dma_start3A_399 = tpu.memref_squeeze %dma_start3A_398 : memref<1x100x64xf32, #tpu.memory_space<vmem>> -> memref<100x64xf32, #tpu.memory_space<vmem>>
          %dma_start3A_400 = arith.constant 0 : i32
          %dma_start3A_401 = tpu.memref_slice %arg6[%add3A_394, %dma_start3A_400] : memref<64x100xi32, #tpu.memory_space<vmem>> -> memref<1x100xi32, #tpu.memory_space<vmem>>
          %dma_start3A_402 = tpu.memref_squeeze %dma_start3A_401 : memref<1x100xi32, #tpu.memory_space<vmem>> -> memref<100xi32, #tpu.memory_space<vmem>>
          %dma_start3A_403 = arith.constant 0 : i32
          %dma_start3A_404 = arith.constant 0 : i32
          %dma_start3A_405 = tpu.memref_slice %arg3[%dma_start3A_403, %dma_start3A_404] : memref<100000x64xf32, #tpu.memory_space<hbm>> -> memref<100000x64xf32, #tpu.memory_space<hbm>>
          tpu.enqueue_indirect_dma source(%dma_start3A_405 : memref<100000x64xf32, #tpu.memory_space<hbm>>) target(%dma_start3A_399 : memref<100x64xf32, #tpu.memory_space<vmem>>) offsets(%dma_start3A_402 : memref<100xi32, #tpu.memory_space<vmem>>) semaphore(%arg18 : memref<!tpu.dma_semaphore, #tpu.memory_space<semaphore_mem>>)
        } else {
        }
      } else {
      }
      %mul3A_154 = arith.constant 8 : i32
      %mul3A_155 = arith.muli %scan3A_125, %mul3A_154 : i32
      %add3A_156 = arith.constant 1 : i32
      %add3A_157 = arith.addi %mul3A_155, %add3A_156 : i32
      %dma_wait3A_158 = arith.constant 1 : i32
      %dma_wait3A_159 = arith.constant 0 : i32
      %dma_wait3A_160 = arith.constant 0 : i32
      %dma_wait3A_161 = tpu.memref_slice %arg8[%dma_wait3A_158, %dma_wait3A_159, %dma_wait3A_160] : memref<8x100x64xf32, #tpu.memory_space<vmem>> -> memref<1x100x64xf32, #tpu.memory_space<vmem>>
      %dma_wait3A_162 = tpu.memref_squeeze %dma_wait3A_161 : memref<1x100x64xf32, #tpu.memory_space<vmem>> -> memref<100x64xf32, #tpu.memory_space<vmem>>
      %dma_wait3A_163 = arith.constant 0 : i32
      %dma_wait3A_164 = tpu.memref_slice %arg6[%add3A_157, %dma_wait3A_163] : memref<64x100xi32, #tpu.memory_space<vmem>> -> memref<1x100xi32, #tpu.memory_space<vmem>>
      %dma_wait3A_165 = tpu.memref_squeeze %dma_wait3A_164 : memref<1x100xi32, #tpu.memory_space<vmem>> -> memref<100xi32, #tpu.memory_space<vmem>>
      %dma_wait3A_166 = arith.constant 0 : i32
      %dma_wait3A_167 = arith.constant 0 : i32
      %dma_wait3A_168 = tpu.memref_slice %arg3[%dma_wait3A_166, %dma_wait3A_167] : memref<100000x64xf32, #tpu.memory_space<hbm>> -> memref<100000x64xf32, #tpu.memory_space<hbm>>
      tpu.wait_indirect_dma semaphore(%arg12 : memref<!tpu.dma_semaphore, #tpu.memory_space<semaphore_mem>>) src(%dma_wait3A_168 : memref<100000x64xf32, #tpu.memory_space<hbm>>) dst(%dma_wait3A_162 : memref<100x64xf32, #tpu.memory_space<vmem>>)
      %dma_start3A_169 = arith.constant 1 : i32
      %dma_start3A_170 = arith.constant 0 : i32
      %dma_start3A_171 = arith.constant 0 : i32
      %dma_start3A_172 = tpu.memref_slice %arg8[%dma_start3A_169, %dma_start3A_170, %dma_start3A_171] : memref<8x100x64xf32, #tpu.memory_space<vmem>> -> memref<1x100x64xf32, #tpu.memory_space<vmem>>
      %dma_start3A_173 = tpu.memref_squeeze %dma_start3A_172 : memref<1x100x64xf32, #tpu.memory_space<vmem>> -> memref<100x64xf32, #tpu.memory_space<vmem>>
      %dma_start3A_174 = arith.constant 0 : i32
      %dma_start3A_175 = tpu.memref_slice %arg7[%add3A_157, %dma_start3A_174] : memref<64x100xi32, #tpu.memory_space<vmem>> -> memref<1x100xi32, #tpu.memory_space<vmem>>
      %dma_start3A_176 = tpu.memref_squeeze %dma_start3A_175 : memref<1x100xi32, #tpu.memory_space<vmem>> -> memref<100xi32, #tpu.memory_space<vmem>>
      %dma_start3A_177 = arith.constant 0 : i32
      %dma_start3A_178 = arith.constant 0 : i32
      %dma_start3A_179 = tpu.memref_slice %arg10[%dma_start3A_177, %dma_start3A_178] : memref<2048x64xf32, #tpu.memory_space<vmem_shared>> -> memref<2048x64xf32, #tpu.memory_space<vmem_shared>>
      tpu.enqueue_indirect_dma source(%dma_start3A_173 : memref<100x64xf32, #tpu.memory_space<vmem>>) target(%dma_start3A_179 : memref<2048x64xf32, #tpu.memory_space<vmem_shared>>) offsets(%dma_start3A_176 : memref<100xi32, #tpu.memory_space<vmem>>) semaphore(%arg20 : memref<!tpu.dma_semaphore, #tpu.memory_space<semaphore_mem>>) {add = true}
      %ge3A_180 = arith.constant 1 : i32
      %ge3A_181 = arith.cmpi sge, %add3A_157, %ge3A_180 : i32
      %convert_element_type3A_182 = arith.extui %ge3A_181 : i1 to i32
      %cond3A_183 = arith.constant 0 : i32
      %cond3A_184 = arith.cmpi ne, %convert_element_type3A_182, %cond3A_183 : i32
      scf.if %cond3A_184 {
        %sub3A = arith.constant 1 : i32
        %sub3A_371 = arith.subi %add3A_157, %sub3A : i32
        %dma_wait3A_372 = arith.constant 0 : i32
        %dma_wait3A_373 = arith.constant 0 : i32
        %dma_wait3A_374 = arith.constant 0 : i32
        %dma_wait3A_375 = tpu.memref_slice %arg8[%dma_wait3A_372, %dma_wait3A_373, %dma_wait3A_374] : memref<8x100x64xf32, #tpu.memory_space<vmem>> -> memref<1x100x64xf32, #tpu.memory_space<vmem>>
        %dma_wait3A_376 = tpu.memref_squeeze %dma_wait3A_375 : memref<1x100x64xf32, #tpu.memory_space<vmem>> -> memref<100x64xf32, #tpu.memory_space<vmem>>
        %dma_wait3A_377 = arith.constant 0 : i32
        %dma_wait3A_378 = tpu.memref_slice %arg7[%sub3A_371, %dma_wait3A_377] : memref<64x100xi32, #tpu.memory_space<vmem>> -> memref<1x100xi32, #tpu.memory_space<vmem>>
        %dma_wait3A_379 = tpu.memref_squeeze %dma_wait3A_378 : memref<1x100xi32, #tpu.memory_space<vmem>> -> memref<100xi32, #tpu.memory_space<vmem>>
        %dma_wait3A_380 = arith.constant 0 : i32
        %dma_wait3A_381 = arith.constant 0 : i32
        %dma_wait3A_382 = tpu.memref_slice %arg10[%dma_wait3A_380, %dma_wait3A_381] : memref<2048x64xf32, #tpu.memory_space<vmem_shared>> -> memref<2048x64xf32, #tpu.memory_space<vmem_shared>>
        tpu.wait_indirect_dma semaphore(%arg19 : memref<!tpu.dma_semaphore, #tpu.memory_space<semaphore_mem>>) src(%dma_wait3A_376 : memref<100x64xf32, #tpu.memory_space<vmem>>) dst(%dma_wait3A_382 : memref<2048x64xf32, #tpu.memory_space<vmem_shared>>)
        %sub3A_383 = arith.constant 1 : i32
        %sub3A_384 = arith.subi %add3A_157, %sub3A_383 : i32
        %add3A_385 = arith.constant 8 : i32
        %add3A_386 = arith.addi %sub3A_384, %add3A_385 : i32
        %lt3A = arith.constant 64 : i32
        %lt3A_387 = arith.cmpi slt, %add3A_386, %lt3A : i32
        %convert_element_type3A_388 = arith.extui %lt3A_387 : i1 to i32
        %cond3A_389 = arith.constant 0 : i32
        %cond3A_390 = arith.cmpi ne, %convert_element_type3A_388, %cond3A_389 : i32
        scf.if %cond3A_390 {
          %sub3A_391 = arith.constant 1 : i32
          %sub3A_392 = arith.subi %add3A_157, %sub3A_391 : i32
          %add3A_393 = arith.constant 8 : i32
          %add3A_394 = arith.addi %sub3A_392, %add3A_393 : i32
          %dma_start3A_395 = arith.constant 0 : i32
          %dma_start3A_396 = arith.constant 0 : i32
          %dma_start3A_397 = arith.constant 0 : i32
          %dma_start3A_398 = tpu.memref_slice %arg8[%dma_start3A_395, %dma_start3A_396, %dma_start3A_397] : memref<8x100x64xf32, #tpu.memory_space<vmem>> -> memref<1x100x64xf32, #tpu.memory_space<vmem>>
          %dma_start3A_399 = tpu.memref_squeeze %dma_start3A_398 : memref<1x100x64xf32, #tpu.memory_space<vmem>> -> memref<100x64xf32, #tpu.memory_space<vmem>>
          %dma_start3A_400 = arith.constant 0 : i32
          %dma_start3A_401 = tpu.memref_slice %arg6[%add3A_394, %dma_start3A_400] : memref<64x100xi32, #tpu.memory_space<vmem>> -> memref<1x100xi32, #tpu.memory_space<vmem>>
          %dma_start3A_402 = tpu.memref_squeeze %dma_start3A_401 : memref<1x100xi32, #tpu.memory_space<vmem>> -> memref<100xi32, #tpu.memory_space<vmem>>
          %dma_start3A_403 = arith.constant 0 : i32
          %dma_start3A_404 = arith.constant 0 : i32
          %dma_start3A_405 = tpu.memref_slice %arg3[%dma_start3A_403, %dma_start3A_404] : memref<100000x64xf32, #tpu.memory_space<hbm>> -> memref<100000x64xf32, #tpu.memory_space<hbm>>
          tpu.enqueue_indirect_dma source(%dma_start3A_405 : memref<100000x64xf32, #tpu.memory_space<hbm>>) target(%dma_start3A_399 : memref<100x64xf32, #tpu.memory_space<vmem>>) offsets(%dma_start3A_402 : memref<100xi32, #tpu.memory_space<vmem>>) semaphore(%arg11 : memref<!tpu.dma_semaphore, #tpu.memory_space<semaphore_mem>>)
        } else {
        }
      } else {
      }
      %mul3A_185 = arith.constant 8 : i32
      %mul3A_186 = arith.muli %scan3A_125, %mul3A_185 : i32
      %add3A_187 = arith.constant 2 : i32
      %add3A_188 = arith.addi %mul3A_186, %add3A_187 : i32
      %dma_wait3A_189 = arith.constant 2 : i32
      %dma_wait3A_190 = arith.constant 0 : i32
      %dma_wait3A_191 = arith.constant 0 : i32
      %dma_wait3A_192 = tpu.memref_slice %arg8[%dma_wait3A_189, %dma_wait3A_190, %dma_wait3A_191] : memref<8x100x64xf32, #tpu.memory_space<vmem>> -> memref<1x100x64xf32, #tpu.memory_space<vmem>>
      %dma_wait3A_193 = tpu.memref_squeeze %dma_wait3A_192 : memref<1x100x64xf32, #tpu.memory_space<vmem>> -> memref<100x64xf32, #tpu.memory_space<vmem>>
      %dma_wait3A_194 = arith.constant 0 : i32
      %dma_wait3A_195 = tpu.memref_slice %arg6[%add3A_188, %dma_wait3A_194] : memref<64x100xi32, #tpu.memory_space<vmem>> -> memref<1x100xi32, #tpu.memory_space<vmem>>
      %dma_wait3A_196 = tpu.memref_squeeze %dma_wait3A_195 : memref<1x100xi32, #tpu.memory_space<vmem>> -> memref<100xi32, #tpu.memory_space<vmem>>
      %dma_wait3A_197 = arith.constant 0 : i32
      %dma_wait3A_198 = arith.constant 0 : i32
      %dma_wait3A_199 = tpu.memref_slice %arg3[%dma_wait3A_197, %dma_wait3A_198] : memref<100000x64xf32, #tpu.memory_space<hbm>> -> memref<100000x64xf32, #tpu.memory_space<hbm>>
      tpu.wait_indirect_dma semaphore(%arg13 : memref<!tpu.dma_semaphore, #tpu.memory_space<semaphore_mem>>) src(%dma_wait3A_199 : memref<100000x64xf32, #tpu.memory_space<hbm>>) dst(%dma_wait3A_193 : memref<100x64xf32, #tpu.memory_space<vmem>>)
      %dma_start3A_200 = arith.constant 2 : i32
      %dma_start3A_201 = arith.constant 0 : i32
      %dma_start3A_202 = arith.constant 0 : i32
      %dma_start3A_203 = tpu.memref_slice %arg8[%dma_start3A_200, %dma_start3A_201, %dma_start3A_202] : memref<8x100x64xf32, #tpu.memory_space<vmem>> -> memref<1x100x64xf32, #tpu.memory_space<vmem>>
      %dma_start3A_204 = tpu.memref_squeeze %dma_start3A_203 : memref<1x100x64xf32, #tpu.memory_space<vmem>> -> memref<100x64xf32, #tpu.memory_space<vmem>>
      %dma_start3A_205 = arith.constant 0 : i32
      %dma_start3A_206 = tpu.memref_slice %arg7[%add3A_188, %dma_start3A_205] : memref<64x100xi32, #tpu.memory_space<vmem>> -> memref<1x100xi32, #tpu.memory_space<vmem>>
      %dma_start3A_207 = tpu.memref_squeeze %dma_start3A_206 : memref<1x100xi32, #tpu.memory_space<vmem>> -> memref<100xi32, #tpu.memory_space<vmem>>
      %dma_start3A_208 = arith.constant 0 : i32
      %dma_start3A_209 = arith.constant 0 : i32
      %dma_start3A_210 = tpu.memref_slice %arg10[%dma_start3A_208, %dma_start3A_209] : memref<2048x64xf32, #tpu.memory_space<vmem_shared>> -> memref<2048x64xf32, #tpu.memory_space<vmem_shared>>
      tpu.enqueue_indirect_dma source(%dma_start3A_204 : memref<100x64xf32, #tpu.memory_space<vmem>>) target(%dma_start3A_210 : memref<2048x64xf32, #tpu.memory_space<vmem_shared>>) offsets(%dma_start3A_207 : memref<100xi32, #tpu.memory_space<vmem>>) semaphore(%arg21 : memref<!tpu.dma_semaphore, #tpu.memory_space<semaphore_mem>>) {add = true}
      %ge3A_211 = arith.constant 1 : i32
      %ge3A_212 = arith.cmpi sge, %add3A_188, %ge3A_211 : i32
      %convert_element_type3A_213 = arith.extui %ge3A_212 : i1 to i32
      %cond3A_214 = arith.constant 0 : i32
      %cond3A_215 = arith.cmpi ne, %convert_element_type3A_213, %cond3A_214 : i32
      scf.if %cond3A_215 {
        %sub3A = arith.constant 1 : i32
        %sub3A_371 = arith.subi %add3A_188, %sub3A : i32
        %dma_wait3A_372 = arith.constant 1 : i32
        %dma_wait3A_373 = arith.constant 0 : i32
        %dma_wait3A_374 = arith.constant 0 : i32
        %dma_wait3A_375 = tpu.memref_slice %arg8[%dma_wait3A_372, %dma_wait3A_373, %dma_wait3A_374] : memref<8x100x64xf32, #tpu.memory_space<vmem>> -> memref<1x100x64xf32, #tpu.memory_space<vmem>>
        %dma_wait3A_376 = tpu.memref_squeeze %dma_wait3A_375 : memref<1x100x64xf32, #tpu.memory_space<vmem>> -> memref<100x64xf32, #tpu.memory_space<vmem>>
        %dma_wait3A_377 = arith.constant 0 : i32
        %dma_wait3A_378 = tpu.memref_slice %arg7[%sub3A_371, %dma_wait3A_377] : memref<64x100xi32, #tpu.memory_space<vmem>> -> memref<1x100xi32, #tpu.memory_space<vmem>>
        %dma_wait3A_379 = tpu.memref_squeeze %dma_wait3A_378 : memref<1x100xi32, #tpu.memory_space<vmem>> -> memref<100xi32, #tpu.memory_space<vmem>>
        %dma_wait3A_380 = arith.constant 0 : i32
        %dma_wait3A_381 = arith.constant 0 : i32
        %dma_wait3A_382 = tpu.memref_slice %arg10[%dma_wait3A_380, %dma_wait3A_381] : memref<2048x64xf32, #tpu.memory_space<vmem_shared>> -> memref<2048x64xf32, #tpu.memory_space<vmem_shared>>
        tpu.wait_indirect_dma semaphore(%arg20 : memref<!tpu.dma_semaphore, #tpu.memory_space<semaphore_mem>>) src(%dma_wait3A_376 : memref<100x64xf32, #tpu.memory_space<vmem>>) dst(%dma_wait3A_382 : memref<2048x64xf32, #tpu.memory_space<vmem_shared>>)
        %sub3A_383 = arith.constant 1 : i32
        %sub3A_384 = arith.subi %add3A_188, %sub3A_383 : i32
        %add3A_385 = arith.constant 8 : i32
        %add3A_386 = arith.addi %sub3A_384, %add3A_385 : i32
        %lt3A = arith.constant 64 : i32
        %lt3A_387 = arith.cmpi slt, %add3A_386, %lt3A : i32
        %convert_element_type3A_388 = arith.extui %lt3A_387 : i1 to i32
        %cond3A_389 = arith.constant 0 : i32
        %cond3A_390 = arith.cmpi ne, %convert_element_type3A_388, %cond3A_389 : i32
        scf.if %cond3A_390 {
          %sub3A_391 = arith.constant 1 : i32
          %sub3A_392 = arith.subi %add3A_188, %sub3A_391 : i32
          %add3A_393 = arith.constant 8 : i32
          %add3A_394 = arith.addi %sub3A_392, %add3A_393 : i32
          %dma_start3A_395 = arith.constant 1 : i32
          %dma_start3A_396 = arith.constant 0 : i32
          %dma_start3A_397 = arith.constant 0 : i32
          %dma_start3A_398 = tpu.memref_slice %arg8[%dma_start3A_395, %dma_start3A_396, %dma_start3A_397] : memref<8x100x64xf32, #tpu.memory_space<vmem>> -> memref<1x100x64xf32, #tpu.memory_space<vmem>>
          %dma_start3A_399 = tpu.memref_squeeze %dma_start3A_398 : memref<1x100x64xf32, #tpu.memory_space<vmem>> -> memref<100x64xf32, #tpu.memory_space<vmem>>
          %dma_start3A_400 = arith.constant 0 : i32
          %dma_start3A_401 = tpu.memref_slice %arg6[%add3A_394, %dma_start3A_400] : memref<64x100xi32, #tpu.memory_space<vmem>> -> memref<1x100xi32, #tpu.memory_space<vmem>>
          %dma_start3A_402 = tpu.memref_squeeze %dma_start3A_401 : memref<1x100xi32, #tpu.memory_space<vmem>> -> memref<100xi32, #tpu.memory_space<vmem>>
          %dma_start3A_403 = arith.constant 0 : i32
          %dma_start3A_404 = arith.constant 0 : i32
          %dma_start3A_405 = tpu.memref_slice %arg3[%dma_start3A_403, %dma_start3A_404] : memref<100000x64xf32, #tpu.memory_space<hbm>> -> memref<100000x64xf32, #tpu.memory_space<hbm>>
          tpu.enqueue_indirect_dma source(%dma_start3A_405 : memref<100000x64xf32, #tpu.memory_space<hbm>>) target(%dma_start3A_399 : memref<100x64xf32, #tpu.memory_space<vmem>>) offsets(%dma_start3A_402 : memref<100xi32, #tpu.memory_space<vmem>>) semaphore(%arg12 : memref<!tpu.dma_semaphore, #tpu.memory_space<semaphore_mem>>)
        } else {
        }
      } else {
      }
      %mul3A_216 = arith.constant 8 : i32
      %mul3A_217 = arith.muli %scan3A_125, %mul3A_216 : i32
      %add3A_218 = arith.constant 3 : i32
      %add3A_219 = arith.addi %mul3A_217, %add3A_218 : i32
      %dma_wait3A_220 = arith.constant 3 : i32
      %dma_wait3A_221 = arith.constant 0 : i32
      %dma_wait3A_222 = arith.constant 0 : i32
      %dma_wait3A_223 = tpu.memref_slice %arg8[%dma_wait3A_220, %dma_wait3A_221, %dma_wait3A_222] : memref<8x100x64xf32, #tpu.memory_space<vmem>> -> memref<1x100x64xf32, #tpu.memory_space<vmem>>
      %dma_wait3A_224 = tpu.memref_squeeze %dma_wait3A_223 : memref<1x100x64xf32, #tpu.memory_space<vmem>> -> memref<100x64xf32, #tpu.memory_space<vmem>>
      %dma_wait3A_225 = arith.constant 0 : i32
      %dma_wait3A_226 = tpu.memref_slice %arg6[%add3A_219, %dma_wait3A_225] : memref<64x100xi32, #tpu.memory_space<vmem>> -> memref<1x100xi32, #tpu.memory_space<vmem>>
      %dma_wait3A_227 = tpu.memref_squeeze %dma_wait3A_226 : memref<1x100xi32, #tpu.memory_space<vmem>> -> memref<100xi32, #tpu.memory_space<vmem>>
      %dma_wait3A_228 = arith.constant 0 : i32
      %dma_wait3A_229 = arith.constant 0 : i32
      %dma_wait3A_230 = tpu.memref_slice %arg3[%dma_wait3A_228, %dma_wait3A_229] : memref<100000x64xf32, #tpu.memory_space<hbm>> -> memref<100000x64xf32, #tpu.memory_space<hbm>>
      tpu.wait_indirect_dma semaphore(%arg14 : memref<!tpu.dma_semaphore, #tpu.memory_space<semaphore_mem>>) src(%dma_wait3A_230 : memref<100000x64xf32, #tpu.memory_space<hbm>>) dst(%dma_wait3A_224 : memref<100x64xf32, #tpu.memory_space<vmem>>)
      %dma_start3A_231 = arith.constant 3 : i32
      %dma_start3A_232 = arith.constant 0 : i32
      %dma_start3A_233 = arith.constant 0 : i32
      %dma_start3A_234 = tpu.memref_slice %arg8[%dma_start3A_231, %dma_start3A_232, %dma_start3A_233] : memref<8x100x64xf32, #tpu.memory_space<vmem>> -> memref<1x100x64xf32, #tpu.memory_space<vmem>>
      %dma_start3A_235 = tpu.memref_squeeze %dma_start3A_234 : memref<1x100x64xf32, #tpu.memory_space<vmem>> -> memref<100x64xf32, #tpu.memory_space<vmem>>
      %dma_start3A_236 = arith.constant 0 : i32
      %dma_start3A_237 = tpu.memref_slice %arg7[%add3A_219, %dma_start3A_236] : memref<64x100xi32, #tpu.memory_space<vmem>> -> memref<1x100xi32, #tpu.memory_space<vmem>>
      %dma_start3A_238 = tpu.memref_squeeze %dma_start3A_237 : memref<1x100xi32, #tpu.memory_space<vmem>> -> memref<100xi32, #tpu.memory_space<vmem>>
      %dma_start3A_239 = arith.constant 0 : i32
      %dma_start3A_240 = arith.constant 0 : i32
      %dma_start3A_241 = tpu.memref_slice %arg10[%dma_start3A_239, %dma_start3A_240] : memref<2048x64xf32, #tpu.memory_space<vmem_shared>> -> memref<2048x64xf32, #tpu.memory_space<vmem_shared>>
      tpu.enqueue_indirect_dma source(%dma_start3A_235 : memref<100x64xf32, #tpu.memory_space<vmem>>) target(%dma_start3A_241 : memref<2048x64xf32, #tpu.memory_space<vmem_shared>>) offsets(%dma_start3A_238 : memref<100xi32, #tpu.memory_space<vmem>>) semaphore(%arg22 : memref<!tpu.dma_semaphore, #tpu.memory_space<semaphore_mem>>) {add = true}
      %ge3A_242 = arith.constant 1 : i32
      %ge3A_243 = arith.cmpi sge, %add3A_219, %ge3A_242 : i32
      %convert_element_type3A_244 = arith.extui %ge3A_243 : i1 to i32
      %cond3A_245 = arith.constant 0 : i32
      %cond3A_246 = arith.cmpi ne, %convert_element_type3A_244, %cond3A_245 : i32
      scf.if %cond3A_246 {
        %sub3A = arith.constant 1 : i32
        %sub3A_371 = arith.subi %add3A_219, %sub3A : i32
        %dma_wait3A_372 = arith.constant 2 : i32
        %dma_wait3A_373 = arith.constant 0 : i32
        %dma_wait3A_374 = arith.constant 0 : i32
        %dma_wait3A_375 = tpu.memref_slice %arg8[%dma_wait3A_372, %dma_wait3A_373, %dma_wait3A_374] : memref<8x100x64xf32, #tpu.memory_space<vmem>> -> memref<1x100x64xf32, #tpu.memory_space<vmem>>
        %dma_wait3A_376 = tpu.memref_squeeze %dma_wait3A_375 : memref<1x100x64xf32, #tpu.memory_space<vmem>> -> memref<100x64xf32, #tpu.memory_space<vmem>>
        %dma_wait3A_377 = arith.constant 0 : i32
        %dma_wait3A_378 = tpu.memref_slice %arg7[%sub3A_371, %dma_wait3A_377] : memref<64x100xi32, #tpu.memory_space<vmem>> -> memref<1x100xi32, #tpu.memory_space<vmem>>
        %dma_wait3A_379 = tpu.memref_squeeze %dma_wait3A_378 : memref<1x100xi32, #tpu.memory_space<vmem>> -> memref<100xi32, #tpu.memory_space<vmem>>
        %dma_wait3A_380 = arith.constant 0 : i32
        %dma_wait3A_381 = arith.constant 0 : i32
        %dma_wait3A_382 = tpu.memref_slice %arg10[%dma_wait3A_380, %dma_wait3A_381] : memref<2048x64xf32, #tpu.memory_space<vmem_shared>> -> memref<2048x64xf32, #tpu.memory_space<vmem_shared>>
        tpu.wait_indirect_dma semaphore(%arg21 : memref<!tpu.dma_semaphore, #tpu.memory_space<semaphore_mem>>) src(%dma_wait3A_376 : memref<100x64xf32, #tpu.memory_space<vmem>>) dst(%dma_wait3A_382 : memref<2048x64xf32, #tpu.memory_space<vmem_shared>>)
        %sub3A_383 = arith.constant 1 : i32
        %sub3A_384 = arith.subi %add3A_219, %sub3A_383 : i32
        %add3A_385 = arith.constant 8 : i32
        %add3A_386 = arith.addi %sub3A_384, %add3A_385 : i32
        %lt3A = arith.constant 64 : i32
        %lt3A_387 = arith.cmpi slt, %add3A_386, %lt3A : i32
        %convert_element_type3A_388 = arith.extui %lt3A_387 : i1 to i32
        %cond3A_389 = arith.constant 0 : i32
        %cond3A_390 = arith.cmpi ne, %convert_element_type3A_388, %cond3A_389 : i32
        scf.if %cond3A_390 {
          %sub3A_391 = arith.constant 1 : i32
          %sub3A_392 = arith.subi %add3A_219, %sub3A_391 : i32
          %add3A_393 = arith.constant 8 : i32
          %add3A_394 = arith.addi %sub3A_392, %add3A_393 : i32
          %dma_start3A_395 = arith.constant 2 : i32
          %dma_start3A_396 = arith.constant 0 : i32
          %dma_start3A_397 = arith.constant 0 : i32
          %dma_start3A_398 = tpu.memref_slice %arg8[%dma_start3A_395, %dma_start3A_396, %dma_start3A_397] : memref<8x100x64xf32, #tpu.memory_space<vmem>> -> memref<1x100x64xf32, #tpu.memory_space<vmem>>
          %dma_start3A_399 = tpu.memref_squeeze %dma_start3A_398 : memref<1x100x64xf32, #tpu.memory_space<vmem>> -> memref<100x64xf32, #tpu.memory_space<vmem>>
          %dma_start3A_400 = arith.constant 0 : i32
          %dma_start3A_401 = tpu.memref_slice %arg6[%add3A_394, %dma_start3A_400] : memref<64x100xi32, #tpu.memory_space<vmem>> -> memref<1x100xi32, #tpu.memory_space<vmem>>
          %dma_start3A_402 = tpu.memref_squeeze %dma_start3A_401 : memref<1x100xi32, #tpu.memory_space<vmem>> -> memref<100xi32, #tpu.memory_space<vmem>>
          %dma_start3A_403 = arith.constant 0 : i32
          %dma_start3A_404 = arith.constant 0 : i32
          %dma_start3A_405 = tpu.memref_slice %arg3[%dma_start3A_403, %dma_start3A_404] : memref<100000x64xf32, #tpu.memory_space<hbm>> -> memref<100000x64xf32, #tpu.memory_space<hbm>>
          tpu.enqueue_indirect_dma source(%dma_start3A_405 : memref<100000x64xf32, #tpu.memory_space<hbm>>) target(%dma_start3A_399 : memref<100x64xf32, #tpu.memory_space<vmem>>) offsets(%dma_start3A_402 : memref<100xi32, #tpu.memory_space<vmem>>) semaphore(%arg13 : memref<!tpu.dma_semaphore, #tpu.memory_space<semaphore_mem>>)
        } else {
        }
      } else {
      }
      %mul3A_247 = arith.constant 8 : i32
      %mul3A_248 = arith.muli %scan3A_125, %mul3A_247 : i32
      %add3A_249 = arith.constant 4 : i32
      %add3A_250 = arith.addi %mul3A_248, %add3A_249 : i32
      %dma_wait3A_251 = arith.constant 4 : i32
      %dma_wait3A_252 = arith.constant 0 : i32
      %dma_wait3A_253 = arith.constant 0 : i32
      %dma_wait3A_254 = tpu.memref_slice %arg8[%dma_wait3A_251, %dma_wait3A_252, %dma_wait3A_253] : memref<8x100x64xf32, #tpu.memory_space<vmem>> -> memref<1x100x64xf32, #tpu.memory_space<vmem>>
      %dma_wait3A_255 = tpu.memref_squeeze %dma_wait3A_254 : memref<1x100x64xf32, #tpu.memory_space<vmem>> -> memref<100x64xf32, #tpu.memory_space<vmem>>
      %dma_wait3A_256 = arith.constant 0 : i32
      %dma_wait3A_257 = tpu.memref_slice %arg6[%add3A_250, %dma_wait3A_256] : memref<64x100xi32, #tpu.memory_space<vmem>> -> memref<1x100xi32, #tpu.memory_space<vmem>>
      %dma_wait3A_258 = tpu.memref_squeeze %dma_wait3A_257 : memref<1x100xi32, #tpu.memory_space<vmem>> -> memref<100xi32, #tpu.memory_space<vmem>>
      %dma_wait3A_259 = arith.constant 0 : i32
      %dma_wait3A_260 = arith.constant 0 : i32
      %dma_wait3A_261 = tpu.memref_slice %arg3[%dma_wait3A_259, %dma_wait3A_260] : memref<100000x64xf32, #tpu.memory_space<hbm>> -> memref<100000x64xf32, #tpu.memory_space<hbm>>
      tpu.wait_indirect_dma semaphore(%arg15 : memref<!tpu.dma_semaphore, #tpu.memory_space<semaphore_mem>>) src(%dma_wait3A_261 : memref<100000x64xf32, #tpu.memory_space<hbm>>) dst(%dma_wait3A_255 : memref<100x64xf32, #tpu.memory_space<vmem>>)
      %dma_start3A_262 = arith.constant 4 : i32
      %dma_start3A_263 = arith.constant 0 : i32
      %dma_start3A_264 = arith.constant 0 : i32
      %dma_start3A_265 = tpu.memref_slice %arg8[%dma_start3A_262, %dma_start3A_263, %dma_start3A_264] : memref<8x100x64xf32, #tpu.memory_space<vmem>> -> memref<1x100x64xf32, #tpu.memory_space<vmem>>
      %dma_start3A_266 = tpu.memref_squeeze %dma_start3A_265 : memref<1x100x64xf32, #tpu.memory_space<vmem>> -> memref<100x64xf32, #tpu.memory_space<vmem>>
      %dma_start3A_267 = arith.constant 0 : i32
      %dma_start3A_268 = tpu.memref_slice %arg7[%add3A_250, %dma_start3A_267] : memref<64x100xi32, #tpu.memory_space<vmem>> -> memref<1x100xi32, #tpu.memory_space<vmem>>
      %dma_start3A_269 = tpu.memref_squeeze %dma_start3A_268 : memref<1x100xi32, #tpu.memory_space<vmem>> -> memref<100xi32, #tpu.memory_space<vmem>>
      %dma_start3A_270 = arith.constant 0 : i32
      %dma_start3A_271 = arith.constant 0 : i32
      %dma_start3A_272 = tpu.memref_slice %arg10[%dma_start3A_270, %dma_start3A_271] : memref<2048x64xf32, #tpu.memory_space<vmem_shared>> -> memref<2048x64xf32, #tpu.memory_space<vmem_shared>>
      tpu.enqueue_indirect_dma source(%dma_start3A_266 : memref<100x64xf32, #tpu.memory_space<vmem>>) target(%dma_start3A_272 : memref<2048x64xf32, #tpu.memory_space<vmem_shared>>) offsets(%dma_start3A_269 : memref<100xi32, #tpu.memory_space<vmem>>) semaphore(%arg23 : memref<!tpu.dma_semaphore, #tpu.memory_space<semaphore_mem>>) {add = true}
      %ge3A_273 = arith.constant 1 : i32
      %ge3A_274 = arith.cmpi sge, %add3A_250, %ge3A_273 : i32
      %convert_element_type3A_275 = arith.extui %ge3A_274 : i1 to i32
      %cond3A_276 = arith.constant 0 : i32
      %cond3A_277 = arith.cmpi ne, %convert_element_type3A_275, %cond3A_276 : i32
      scf.if %cond3A_277 {
        %sub3A = arith.constant 1 : i32
        %sub3A_371 = arith.subi %add3A_250, %sub3A : i32
        %dma_wait3A_372 = arith.constant 3 : i32
        %dma_wait3A_373 = arith.constant 0 : i32
        %dma_wait3A_374 = arith.constant 0 : i32
        %dma_wait3A_375 = tpu.memref_slice %arg8[%dma_wait3A_372, %dma_wait3A_373, %dma_wait3A_374] : memref<8x100x64xf32, #tpu.memory_space<vmem>> -> memref<1x100x64xf32, #tpu.memory_space<vmem>>
        %dma_wait3A_376 = tpu.memref_squeeze %dma_wait3A_375 : memref<1x100x64xf32, #tpu.memory_space<vmem>> -> memref<100x64xf32, #tpu.memory_space<vmem>>
        %dma_wait3A_377 = arith.constant 0 : i32
        %dma_wait3A_378 = tpu.memref_slice %arg7[%sub3A_371, %dma_wait3A_377] : memref<64x100xi32, #tpu.memory_space<vmem>> -> memref<1x100xi32, #tpu.memory_space<vmem>>
        %dma_wait3A_379 = tpu.memref_squeeze %dma_wait3A_378 : memref<1x100xi32, #tpu.memory_space<vmem>> -> memref<100xi32, #tpu.memory_space<vmem>>
        %dma_wait3A_380 = arith.constant 0 : i32
        %dma_wait3A_381 = arith.constant 0 : i32
        %dma_wait3A_382 = tpu.memref_slice %arg10[%dma_wait3A_380, %dma_wait3A_381] : memref<2048x64xf32, #tpu.memory_space<vmem_shared>> -> memref<2048x64xf32, #tpu.memory_space<vmem_shared>>
        tpu.wait_indirect_dma semaphore(%arg22 : memref<!tpu.dma_semaphore, #tpu.memory_space<semaphore_mem>>) src(%dma_wait3A_376 : memref<100x64xf32, #tpu.memory_space<vmem>>) dst(%dma_wait3A_382 : memref<2048x64xf32, #tpu.memory_space<vmem_shared>>)
        %sub3A_383 = arith.constant 1 : i32
        %sub3A_384 = arith.subi %add3A_250, %sub3A_383 : i32
        %add3A_385 = arith.constant 8 : i32
        %add3A_386 = arith.addi %sub3A_384, %add3A_385 : i32
        %lt3A = arith.constant 64 : i32
        %lt3A_387 = arith.cmpi slt, %add3A_386, %lt3A : i32
        %convert_element_type3A_388 = arith.extui %lt3A_387 : i1 to i32
        %cond3A_389 = arith.constant 0 : i32
        %cond3A_390 = arith.cmpi ne, %convert_element_type3A_388, %cond3A_389 : i32
        scf.if %cond3A_390 {
          %sub3A_391 = arith.constant 1 : i32
          %sub3A_392 = arith.subi %add3A_250, %sub3A_391 : i32
          %add3A_393 = arith.constant 8 : i32
          %add3A_394 = arith.addi %sub3A_392, %add3A_393 : i32
          %dma_start3A_395 = arith.constant 3 : i32
          %dma_start3A_396 = arith.constant 0 : i32
          %dma_start3A_397 = arith.constant 0 : i32
          %dma_start3A_398 = tpu.memref_slice %arg8[%dma_start3A_395, %dma_start3A_396, %dma_start3A_397] : memref<8x100x64xf32, #tpu.memory_space<vmem>> -> memref<1x100x64xf32, #tpu.memory_space<vmem>>
          %dma_start3A_399 = tpu.memref_squeeze %dma_start3A_398 : memref<1x100x64xf32, #tpu.memory_space<vmem>> -> memref<100x64xf32, #tpu.memory_space<vmem>>
          %dma_start3A_400 = arith.constant 0 : i32
          %dma_start3A_401 = tpu.memref_slice %arg6[%add3A_394, %dma_start3A_400] : memref<64x100xi32, #tpu.memory_space<vmem>> -> memref<1x100xi32, #tpu.memory_space<vmem>>
          %dma_start3A_402 = tpu.memref_squeeze %dma_start3A_401 : memref<1x100xi32, #tpu.memory_space<vmem>> -> memref<100xi32, #tpu.memory_space<vmem>>
          %dma_start3A_403 = arith.constant 0 : i32
          %dma_start3A_404 = arith.constant 0 : i32
          %dma_start3A_405 = tpu.memref_slice %arg3[%dma_start3A_403, %dma_start3A_404] : memref<100000x64xf32, #tpu.memory_space<hbm>> -> memref<100000x64xf32, #tpu.memory_space<hbm>>
          tpu.enqueue_indirect_dma source(%dma_start3A_405 : memref<100000x64xf32, #tpu.memory_space<hbm>>) target(%dma_start3A_399 : memref<100x64xf32, #tpu.memory_space<vmem>>) offsets(%dma_start3A_402 : memref<100xi32, #tpu.memory_space<vmem>>) semaphore(%arg14 : memref<!tpu.dma_semaphore, #tpu.memory_space<semaphore_mem>>)
        } else {
        }
      } else {
      }
      %mul3A_278 = arith.constant 8 : i32
      %mul3A_279 = arith.muli %scan3A_125, %mul3A_278 : i32
      %add3A_280 = arith.constant 5 : i32
      %add3A_281 = arith.addi %mul3A_279, %add3A_280 : i32
      %dma_wait3A_282 = arith.constant 5 : i32
      %dma_wait3A_283 = arith.constant 0 : i32
      %dma_wait3A_284 = arith.constant 0 : i32
      %dma_wait3A_285 = tpu.memref_slice %arg8[%dma_wait3A_282, %dma_wait3A_283, %dma_wait3A_284] : memref<8x100x64xf32, #tpu.memory_space<vmem>> -> memref<1x100x64xf32, #tpu.memory_space<vmem>>
      %dma_wait3A_286 = tpu.memref_squeeze %dma_wait3A_285 : memref<1x100x64xf32, #tpu.memory_space<vmem>> -> memref<100x64xf32, #tpu.memory_space<vmem>>
      %dma_wait3A_287 = arith.constant 0 : i32
      %dma_wait3A_288 = tpu.memref_slice %arg6[%add3A_281, %dma_wait3A_287] : memref<64x100xi32, #tpu.memory_space<vmem>> -> memref<1x100xi32, #tpu.memory_space<vmem>>
      %dma_wait3A_289 = tpu.memref_squeeze %dma_wait3A_288 : memref<1x100xi32, #tpu.memory_space<vmem>> -> memref<100xi32, #tpu.memory_space<vmem>>
      %dma_wait3A_290 = arith.constant 0 : i32
      %dma_wait3A_291 = arith.constant 0 : i32
      %dma_wait3A_292 = tpu.memref_slice %arg3[%dma_wait3A_290, %dma_wait3A_291] : memref<100000x64xf32, #tpu.memory_space<hbm>> -> memref<100000x64xf32, #tpu.memory_space<hbm>>
      tpu.wait_indirect_dma semaphore(%arg16 : memref<!tpu.dma_semaphore, #tpu.memory_space<semaphore_mem>>) src(%dma_wait3A_292 : memref<100000x64xf32, #tpu.memory_space<hbm>>) dst(%dma_wait3A_286 : memref<100x64xf32, #tpu.memory_space<vmem>>)
      %dma_start3A_293 = arith.constant 5 : i32
      %dma_start3A_294 = arith.constant 0 : i32
      %dma_start3A_295 = arith.constant 0 : i32
      %dma_start3A_296 = tpu.memref_slice %arg8[%dma_start3A_293, %dma_start3A_294, %dma_start3A_295] : memref<8x100x64xf32, #tpu.memory_space<vmem>> -> memref<1x100x64xf32, #tpu.memory_space<vmem>>
      %dma_start3A_297 = tpu.memref_squeeze %dma_start3A_296 : memref<1x100x64xf32, #tpu.memory_space<vmem>> -> memref<100x64xf32, #tpu.memory_space<vmem>>
      %dma_start3A_298 = arith.constant 0 : i32
      %dma_start3A_299 = tpu.memref_slice %arg7[%add3A_281, %dma_start3A_298] : memref<64x100xi32, #tpu.memory_space<vmem>> -> memref<1x100xi32, #tpu.memory_space<vmem>>
      %dma_start3A_300 = tpu.memref_squeeze %dma_start3A_299 : memref<1x100xi32, #tpu.memory_space<vmem>> -> memref<100xi32, #tpu.memory_space<vmem>>
      %dma_start3A_301 = arith.constant 0 : i32
      %dma_start3A_302 = arith.constant 0 : i32
      %dma_start3A_303 = tpu.memref_slice %arg10[%dma_start3A_301, %dma_start3A_302] : memref<2048x64xf32, #tpu.memory_space<vmem_shared>> -> memref<2048x64xf32, #tpu.memory_space<vmem_shared>>
      tpu.enqueue_indirect_dma source(%dma_start3A_297 : memref<100x64xf32, #tpu.memory_space<vmem>>) target(%dma_start3A_303 : memref<2048x64xf32, #tpu.memory_space<vmem_shared>>) offsets(%dma_start3A_300 : memref<100xi32, #tpu.memory_space<vmem>>) semaphore(%arg24 : memref<!tpu.dma_semaphore, #tpu.memory_space<semaphore_mem>>) {add = true}
      %ge3A_304 = arith.constant 1 : i32
      %ge3A_305 = arith.cmpi sge, %add3A_281, %ge3A_304 : i32
      %convert_element_type3A_306 = arith.extui %ge3A_305 : i1 to i32
      %cond3A_307 = arith.constant 0 : i32
      %cond3A_308 = arith.cmpi ne, %convert_element_type3A_306, %cond3A_307 : i32
      scf.if %cond3A_308 {
        %sub3A = arith.constant 1 : i32
        %sub3A_371 = arith.subi %add3A_281, %sub3A : i32
        %dma_wait3A_372 = arith.constant 4 : i32
        %dma_wait3A_373 = arith.constant 0 : i32
        %dma_wait3A_374 = arith.constant 0 : i32
        %dma_wait3A_375 = tpu.memref_slice %arg8[%dma_wait3A_372, %dma_wait3A_373, %dma_wait3A_374] : memref<8x100x64xf32, #tpu.memory_space<vmem>> -> memref<1x100x64xf32, #tpu.memory_space<vmem>>
        %dma_wait3A_376 = tpu.memref_squeeze %dma_wait3A_375 : memref<1x100x64xf32, #tpu.memory_space<vmem>> -> memref<100x64xf32, #tpu.memory_space<vmem>>
        %dma_wait3A_377 = arith.constant 0 : i32
        %dma_wait3A_378 = tpu.memref_slice %arg7[%sub3A_371, %dma_wait3A_377] : memref<64x100xi32, #tpu.memory_space<vmem>> -> memref<1x100xi32, #tpu.memory_space<vmem>>
        %dma_wait3A_379 = tpu.memref_squeeze %dma_wait3A_378 : memref<1x100xi32, #tpu.memory_space<vmem>> -> memref<100xi32, #tpu.memory_space<vmem>>
        %dma_wait3A_380 = arith.constant 0 : i32
        %dma_wait3A_381 = arith.constant 0 : i32
        %dma_wait3A_382 = tpu.memref_slice %arg10[%dma_wait3A_380, %dma_wait3A_381] : memref<2048x64xf32, #tpu.memory_space<vmem_shared>> -> memref<2048x64xf32, #tpu.memory_space<vmem_shared>>
        tpu.wait_indirect_dma semaphore(%arg23 : memref<!tpu.dma_semaphore, #tpu.memory_space<semaphore_mem>>) src(%dma_wait3A_376 : memref<100x64xf32, #tpu.memory_space<vmem>>) dst(%dma_wait3A_382 : memref<2048x64xf32, #tpu.memory_space<vmem_shared>>)
        %sub3A_383 = arith.constant 1 : i32
        %sub3A_384 = arith.subi %add3A_281, %sub3A_383 : i32
        %add3A_385 = arith.constant 8 : i32
        %add3A_386 = arith.addi %sub3A_384, %add3A_385 : i32
        %lt3A = arith.constant 64 : i32
        %lt3A_387 = arith.cmpi slt, %add3A_386, %lt3A : i32
        %convert_element_type3A_388 = arith.extui %lt3A_387 : i1 to i32
        %cond3A_389 = arith.constant 0 : i32
        %cond3A_390 = arith.cmpi ne, %convert_element_type3A_388, %cond3A_389 : i32
        scf.if %cond3A_390 {
          %sub3A_391 = arith.constant 1 : i32
          %sub3A_392 = arith.subi %add3A_281, %sub3A_391 : i32
          %add3A_393 = arith.constant 8 : i32
          %add3A_394 = arith.addi %sub3A_392, %add3A_393 : i32
          %dma_start3A_395 = arith.constant 4 : i32
          %dma_start3A_396 = arith.constant 0 : i32
          %dma_start3A_397 = arith.constant 0 : i32
          %dma_start3A_398 = tpu.memref_slice %arg8[%dma_start3A_395, %dma_start3A_396, %dma_start3A_397] : memref<8x100x64xf32, #tpu.memory_space<vmem>> -> memref<1x100x64xf32, #tpu.memory_space<vmem>>
          %dma_start3A_399 = tpu.memref_squeeze %dma_start3A_398 : memref<1x100x64xf32, #tpu.memory_space<vmem>> -> memref<100x64xf32, #tpu.memory_space<vmem>>
          %dma_start3A_400 = arith.constant 0 : i32
          %dma_start3A_401 = tpu.memref_slice %arg6[%add3A_394, %dma_start3A_400] : memref<64x100xi32, #tpu.memory_space<vmem>> -> memref<1x100xi32, #tpu.memory_space<vmem>>
          %dma_start3A_402 = tpu.memref_squeeze %dma_start3A_401 : memref<1x100xi32, #tpu.memory_space<vmem>> -> memref<100xi32, #tpu.memory_space<vmem>>
          %dma_start3A_403 = arith.constant 0 : i32
          %dma_start3A_404 = arith.constant 0 : i32
          %dma_start3A_405 = tpu.memref_slice %arg3[%dma_start3A_403, %dma_start3A_404] : memref<100000x64xf32, #tpu.memory_space<hbm>> -> memref<100000x64xf32, #tpu.memory_space<hbm>>
          tpu.enqueue_indirect_dma source(%dma_start3A_405 : memref<100000x64xf32, #tpu.memory_space<hbm>>) target(%dma_start3A_399 : memref<100x64xf32, #tpu.memory_space<vmem>>) offsets(%dma_start3A_402 : memref<100xi32, #tpu.memory_space<vmem>>) semaphore(%arg15 : memref<!tpu.dma_semaphore, #tpu.memory_space<semaphore_mem>>)
        } else {
        }
      } else {
      }
      %mul3A_309 = arith.constant 8 : i32
      %mul3A_310 = arith.muli %scan3A_125, %mul3A_309 : i32
      %add3A_311 = arith.constant 6 : i32
      %add3A_312 = arith.addi %mul3A_310, %add3A_311 : i32
      %dma_wait3A_313 = arith.constant 6 : i32
      %dma_wait3A_314 = arith.constant 0 : i32
      %dma_wait3A_315 = arith.constant 0 : i32
      %dma_wait3A_316 = tpu.memref_slice %arg8[%dma_wait3A_313, %dma_wait3A_314, %dma_wait3A_315] : memref<8x100x64xf32, #tpu.memory_space<vmem>> -> memref<1x100x64xf32, #tpu.memory_space<vmem>>
      %dma_wait3A_317 = tpu.memref_squeeze %dma_wait3A_316 : memref<1x100x64xf32, #tpu.memory_space<vmem>> -> memref<100x64xf32, #tpu.memory_space<vmem>>
      %dma_wait3A_318 = arith.constant 0 : i32
      %dma_wait3A_319 = tpu.memref_slice %arg6[%add3A_312, %dma_wait3A_318] : memref<64x100xi32, #tpu.memory_space<vmem>> -> memref<1x100xi32, #tpu.memory_space<vmem>>
      %dma_wait3A_320 = tpu.memref_squeeze %dma_wait3A_319 : memref<1x100xi32, #tpu.memory_space<vmem>> -> memref<100xi32, #tpu.memory_space<vmem>>
      %dma_wait3A_321 = arith.constant 0 : i32
      %dma_wait3A_322 = arith.constant 0 : i32
      %dma_wait3A_323 = tpu.memref_slice %arg3[%dma_wait3A_321, %dma_wait3A_322] : memref<100000x64xf32, #tpu.memory_space<hbm>> -> memref<100000x64xf32, #tpu.memory_space<hbm>>
      tpu.wait_indirect_dma semaphore(%arg17 : memref<!tpu.dma_semaphore, #tpu.memory_space<semaphore_mem>>) src(%dma_wait3A_323 : memref<100000x64xf32, #tpu.memory_space<hbm>>) dst(%dma_wait3A_317 : memref<100x64xf32, #tpu.memory_space<vmem>>)
      %dma_start3A_324 = arith.constant 6 : i32
      %dma_start3A_325 = arith.constant 0 : i32
      %dma_start3A_326 = arith.constant 0 : i32
      %dma_start3A_327 = tpu.memref_slice %arg8[%dma_start3A_324, %dma_start3A_325, %dma_start3A_326] : memref<8x100x64xf32, #tpu.memory_space<vmem>> -> memref<1x100x64xf32, #tpu.memory_space<vmem>>
      %dma_start3A_328 = tpu.memref_squeeze %dma_start3A_327 : memref<1x100x64xf32, #tpu.memory_space<vmem>> -> memref<100x64xf32, #tpu.memory_space<vmem>>
      %dma_start3A_329 = arith.constant 0 : i32
      %dma_start3A_330 = tpu.memref_slice %arg7[%add3A_312, %dma_start3A_329] : memref<64x100xi32, #tpu.memory_space<vmem>> -> memref<1x100xi32, #tpu.memory_space<vmem>>
      %dma_start3A_331 = tpu.memref_squeeze %dma_start3A_330 : memref<1x100xi32, #tpu.memory_space<vmem>> -> memref<100xi32, #tpu.memory_space<vmem>>
      %dma_start3A_332 = arith.constant 0 : i32
      %dma_start3A_333 = arith.constant 0 : i32
      %dma_start3A_334 = tpu.memref_slice %arg10[%dma_start3A_332, %dma_start3A_333] : memref<2048x64xf32, #tpu.memory_space<vmem_shared>> -> memref<2048x64xf32, #tpu.memory_space<vmem_shared>>
      tpu.enqueue_indirect_dma source(%dma_start3A_328 : memref<100x64xf32, #tpu.memory_space<vmem>>) target(%dma_start3A_334 : memref<2048x64xf32, #tpu.memory_space<vmem_shared>>) offsets(%dma_start3A_331 : memref<100xi32, #tpu.memory_space<vmem>>) semaphore(%arg25 : memref<!tpu.dma_semaphore, #tpu.memory_space<semaphore_mem>>) {add = true}
      %ge3A_335 = arith.constant 1 : i32
      %ge3A_336 = arith.cmpi sge, %add3A_312, %ge3A_335 : i32
      %convert_element_type3A_337 = arith.extui %ge3A_336 : i1 to i32
      %cond3A_338 = arith.constant 0 : i32
      %cond3A_339 = arith.cmpi ne, %convert_element_type3A_337, %cond3A_338 : i32
      scf.if %cond3A_339 {
        %sub3A = arith.constant 1 : i32
        %sub3A_371 = arith.subi %add3A_312, %sub3A : i32
        %dma_wait3A_372 = arith.constant 5 : i32
        %dma_wait3A_373 = arith.constant 0 : i32
        %dma_wait3A_374 = arith.constant 0 : i32
        %dma_wait3A_375 = tpu.memref_slice %arg8[%dma_wait3A_372, %dma_wait3A_373, %dma_wait3A_374] : memref<8x100x64xf32, #tpu.memory_space<vmem>> -> memref<1x100x64xf32, #tpu.memory_space<vmem>>
        %dma_wait3A_376 = tpu.memref_squeeze %dma_wait3A_375 : memref<1x100x64xf32, #tpu.memory_space<vmem>> -> memref<100x64xf32, #tpu.memory_space<vmem>>
        %dma_wait3A_377 = arith.constant 0 : i32
        %dma_wait3A_378 = tpu.memref_slice %arg7[%sub3A_371, %dma_wait3A_377] : memref<64x100xi32, #tpu.memory_space<vmem>> -> memref<1x100xi32, #tpu.memory_space<vmem>>
        %dma_wait3A_379 = tpu.memref_squeeze %dma_wait3A_378 : memref<1x100xi32, #tpu.memory_space<vmem>> -> memref<100xi32, #tpu.memory_space<vmem>>
        %dma_wait3A_380 = arith.constant 0 : i32
        %dma_wait3A_381 = arith.constant 0 : i32
        %dma_wait3A_382 = tpu.memref_slice %arg10[%dma_wait3A_380, %dma_wait3A_381] : memref<2048x64xf32, #tpu.memory_space<vmem_shared>> -> memref<2048x64xf32, #tpu.memory_space<vmem_shared>>
        tpu.wait_indirect_dma semaphore(%arg24 : memref<!tpu.dma_semaphore, #tpu.memory_space<semaphore_mem>>) src(%dma_wait3A_376 : memref<100x64xf32, #tpu.memory_space<vmem>>) dst(%dma_wait3A_382 : memref<2048x64xf32, #tpu.memory_space<vmem_shared>>)
        %sub3A_383 = arith.constant 1 : i32
        %sub3A_384 = arith.subi %add3A_312, %sub3A_383 : i32
        %add3A_385 = arith.constant 8 : i32
        %add3A_386 = arith.addi %sub3A_384, %add3A_385 : i32
        %lt3A = arith.constant 64 : i32
        %lt3A_387 = arith.cmpi slt, %add3A_386, %lt3A : i32
        %convert_element_type3A_388 = arith.extui %lt3A_387 : i1 to i32
        %cond3A_389 = arith.constant 0 : i32
        %cond3A_390 = arith.cmpi ne, %convert_element_type3A_388, %cond3A_389 : i32
        scf.if %cond3A_390 {
          %sub3A_391 = arith.constant 1 : i32
          %sub3A_392 = arith.subi %add3A_312, %sub3A_391 : i32
          %add3A_393 = arith.constant 8 : i32
          %add3A_394 = arith.addi %sub3A_392, %add3A_393 : i32
          %dma_start3A_395 = arith.constant 5 : i32
          %dma_start3A_396 = arith.constant 0 : i32
          %dma_start3A_397 = arith.constant 0 : i32
          %dma_start3A_398 = tpu.memref_slice %arg8[%dma_start3A_395, %dma_start3A_396, %dma_start3A_397] : memref<8x100x64xf32, #tpu.memory_space<vmem>> -> memref<1x100x64xf32, #tpu.memory_space<vmem>>
          %dma_start3A_399 = tpu.memref_squeeze %dma_start3A_398 : memref<1x100x64xf32, #tpu.memory_space<vmem>> -> memref<100x64xf32, #tpu.memory_space<vmem>>
          %dma_start3A_400 = arith.constant 0 : i32
          %dma_start3A_401 = tpu.memref_slice %arg6[%add3A_394, %dma_start3A_400] : memref<64x100xi32, #tpu.memory_space<vmem>> -> memref<1x100xi32, #tpu.memory_space<vmem>>
          %dma_start3A_402 = tpu.memref_squeeze %dma_start3A_401 : memref<1x100xi32, #tpu.memory_space<vmem>> -> memref<100xi32, #tpu.memory_space<vmem>>
          %dma_start3A_403 = arith.constant 0 : i32
          %dma_start3A_404 = arith.constant 0 : i32
          %dma_start3A_405 = tpu.memref_slice %arg3[%dma_start3A_403, %dma_start3A_404] : memref<100000x64xf32, #tpu.memory_space<hbm>> -> memref<100000x64xf32, #tpu.memory_space<hbm>>
          tpu.enqueue_indirect_dma source(%dma_start3A_405 : memref<100000x64xf32, #tpu.memory_space<hbm>>) target(%dma_start3A_399 : memref<100x64xf32, #tpu.memory_space<vmem>>) offsets(%dma_start3A_402 : memref<100xi32, #tpu.memory_space<vmem>>) semaphore(%arg16 : memref<!tpu.dma_semaphore, #tpu.memory_space<semaphore_mem>>)
        } else {
        }
      } else {
      }
      %mul3A_340 = arith.constant 8 : i32
      %mul3A_341 = arith.muli %scan3A_125, %mul3A_340 : i32
      %add3A_342 = arith.constant 7 : i32
      %add3A_343 = arith.addi %mul3A_341, %add3A_342 : i32
      %dma_wait3A_344 = arith.constant 7 : i32
      %dma_wait3A_345 = arith.constant 0 : i32
      %dma_wait3A_346 = arith.constant 0 : i32
      %dma_wait3A_347 = tpu.memref_slice %arg8[%dma_wait3A_344, %dma_wait3A_345, %dma_wait3A_346] : memref<8x100x64xf32, #tpu.memory_space<vmem>> -> memref<1x100x64xf32, #tpu.memory_space<vmem>>
      %dma_wait3A_348 = tpu.memref_squeeze %dma_wait3A_347 : memref<1x100x64xf32, #tpu.memory_space<vmem>> -> memref<100x64xf32, #tpu.memory_space<vmem>>
      %dma_wait3A_349 = arith.constant 0 : i32
      %dma_wait3A_350 = tpu.memref_slice %arg6[%add3A_343, %dma_wait3A_349] : memref<64x100xi32, #tpu.memory_space<vmem>> -> memref<1x100xi32, #tpu.memory_space<vmem>>
      %dma_wait3A_351 = tpu.memref_squeeze %dma_wait3A_350 : memref<1x100xi32, #tpu.memory_space<vmem>> -> memref<100xi32, #tpu.memory_space<vmem>>
      %dma_wait3A_352 = arith.constant 0 : i32
      %dma_wait3A_353 = arith.constant 0 : i32
      %dma_wait3A_354 = tpu.memref_slice %arg3[%dma_wait3A_352, %dma_wait3A_353] : memref<100000x64xf32, #tpu.memory_space<hbm>> -> memref<100000x64xf32, #tpu.memory_space<hbm>>
      tpu.wait_indirect_dma semaphore(%arg18 : memref<!tpu.dma_semaphore, #tpu.memory_space<semaphore_mem>>) src(%dma_wait3A_354 : memref<100000x64xf32, #tpu.memory_space<hbm>>) dst(%dma_wait3A_348 : memref<100x64xf32, #tpu.memory_space<vmem>>)
      %dma_start3A_355 = arith.constant 7 : i32
      %dma_start3A_356 = arith.constant 0 : i32
      %dma_start3A_357 = arith.constant 0 : i32
      %dma_start3A_358 = tpu.memref_slice %arg8[%dma_start3A_355, %dma_start3A_356, %dma_start3A_357] : memref<8x100x64xf32, #tpu.memory_space<vmem>> -> memref<1x100x64xf32, #tpu.memory_space<vmem>>
      %dma_start3A_359 = tpu.memref_squeeze %dma_start3A_358 : memref<1x100x64xf32, #tpu.memory_space<vmem>> -> memref<100x64xf32, #tpu.memory_space<vmem>>
      %dma_start3A_360 = arith.constant 0 : i32
      %dma_start3A_361 = tpu.memref_slice %arg7[%add3A_343, %dma_start3A_360] : memref<64x100xi32, #tpu.memory_space<vmem>> -> memref<1x100xi32, #tpu.memory_space<vmem>>
      %dma_start3A_362 = tpu.memref_squeeze %dma_start3A_361 : memref<1x100xi32, #tpu.memory_space<vmem>> -> memref<100xi32, #tpu.memory_space<vmem>>
      %dma_start3A_363 = arith.constant 0 : i32
      %dma_start3A_364 = arith.constant 0 : i32
      %dma_start3A_365 = tpu.memref_slice %arg10[%dma_start3A_363, %dma_start3A_364] : memref<2048x64xf32, #tpu.memory_space<vmem_shared>> -> memref<2048x64xf32, #tpu.memory_space<vmem_shared>>
      tpu.enqueue_indirect_dma source(%dma_start3A_359 : memref<100x64xf32, #tpu.memory_space<vmem>>) target(%dma_start3A_365 : memref<2048x64xf32, #tpu.memory_space<vmem_shared>>) offsets(%dma_start3A_362 : memref<100xi32, #tpu.memory_space<vmem>>) semaphore(%arg26 : memref<!tpu.dma_semaphore, #tpu.memory_space<semaphore_mem>>) {add = true}
      %ge3A_366 = arith.constant 1 : i32
      %ge3A_367 = arith.cmpi sge, %add3A_343, %ge3A_366 : i32
      %convert_element_type3A_368 = arith.extui %ge3A_367 : i1 to i32
      %cond3A_369 = arith.constant 0 : i32
      %cond3A_370 = arith.cmpi ne, %convert_element_type3A_368, %cond3A_369 : i32
      scf.if %cond3A_370 {
        %sub3A = arith.constant 1 : i32
        %sub3A_371 = arith.subi %add3A_343, %sub3A : i32
        %dma_wait3A_372 = arith.constant 6 : i32
        %dma_wait3A_373 = arith.constant 0 : i32
        %dma_wait3A_374 = arith.constant 0 : i32
        %dma_wait3A_375 = tpu.memref_slice %arg8[%dma_wait3A_372, %dma_wait3A_373, %dma_wait3A_374] : memref<8x100x64xf32, #tpu.memory_space<vmem>> -> memref<1x100x64xf32, #tpu.memory_space<vmem>>
        %dma_wait3A_376 = tpu.memref_squeeze %dma_wait3A_375 : memref<1x100x64xf32, #tpu.memory_space<vmem>> -> memref<100x64xf32, #tpu.memory_space<vmem>>
        %dma_wait3A_377 = arith.constant 0 : i32
        %dma_wait3A_378 = tpu.memref_slice %arg7[%sub3A_371, %dma_wait3A_377] : memref<64x100xi32, #tpu.memory_space<vmem>> -> memref<1x100xi32, #tpu.memory_space<vmem>>
        %dma_wait3A_379 = tpu.memref_squeeze %dma_wait3A_378 : memref<1x100xi32, #tpu.memory_space<vmem>> -> memref<100xi32, #tpu.memory_space<vmem>>
        %dma_wait3A_380 = arith.constant 0 : i32
        %dma_wait3A_381 = arith.constant 0 : i32
        %dma_wait3A_382 = tpu.memref_slice %arg10[%dma_wait3A_380, %dma_wait3A_381] : memref<2048x64xf32, #tpu.memory_space<vmem_shared>> -> memref<2048x64xf32, #tpu.memory_space<vmem_shared>>
        tpu.wait_indirect_dma semaphore(%arg25 : memref<!tpu.dma_semaphore, #tpu.memory_space<semaphore_mem>>) src(%dma_wait3A_376 : memref<100x64xf32, #tpu.memory_space<vmem>>) dst(%dma_wait3A_382 : memref<2048x64xf32, #tpu.memory_space<vmem_shared>>)
        %sub3A_383 = arith.constant 1 : i32
        %sub3A_384 = arith.subi %add3A_343, %sub3A_383 : i32
        %add3A_385 = arith.constant 8 : i32
        %add3A_386 = arith.addi %sub3A_384, %add3A_385 : i32
        %lt3A = arith.constant 64 : i32
        %lt3A_387 = arith.cmpi slt, %add3A_386, %lt3A : i32
        %convert_element_type3A_388 = arith.extui %lt3A_387 : i1 to i32
        %cond3A_389 = arith.constant 0 : i32
        %cond3A_390 = arith.cmpi ne, %convert_element_type3A_388, %cond3A_389 : i32
        scf.if %cond3A_390 {
          %sub3A_391 = arith.constant 1 : i32
          %sub3A_392 = arith.subi %add3A_343, %sub3A_391 : i32
          %add3A_393 = arith.constant 8 : i32
          %add3A_394 = arith.addi %sub3A_392, %add3A_393 : i32
          %dma_start3A_395 = arith.constant 6 : i32
          %dma_start3A_396 = arith.constant 0 : i32
          %dma_start3A_397 = arith.constant 0 : i32
          %dma_start3A_398 = tpu.memref_slice %arg8[%dma_start3A_395, %dma_start3A_396, %dma_start3A_397] : memref<8x100x64xf32, #tpu.memory_space<vmem>> -> memref<1x100x64xf32, #tpu.memory_space<vmem>>
          %dma_start3A_399 = tpu.memref_squeeze %dma_start3A_398 : memref<1x100x64xf32, #tpu.memory_space<vmem>> -> memref<100x64xf32, #tpu.memory_space<vmem>>
          %dma_start3A_400 = arith.constant 0 : i32
          %dma_start3A_401 = tpu.memref_slice %arg6[%add3A_394, %dma_start3A_400] : memref<64x100xi32, #tpu.memory_space<vmem>> -> memref<1x100xi32, #tpu.memory_space<vmem>>
          %dma_start3A_402 = tpu.memref_squeeze %dma_start3A_401 : memref<1x100xi32, #tpu.memory_space<vmem>> -> memref<100xi32, #tpu.memory_space<vmem>>
          %dma_start3A_403 = arith.constant 0 : i32
          %dma_start3A_404 = arith.constant 0 : i32
          %dma_start3A_405 = tpu.memref_slice %arg3[%dma_start3A_403, %dma_start3A_404] : memref<100000x64xf32, #tpu.memory_space<hbm>> -> memref<100000x64xf32, #tpu.memory_space<hbm>>
          tpu.enqueue_indirect_dma source(%dma_start3A_405 : memref<100000x64xf32, #tpu.memory_space<hbm>>) target(%dma_start3A_399 : memref<100x64xf32, #tpu.memory_space<vmem>>) offsets(%dma_start3A_402 : memref<100xi32, #tpu.memory_space<vmem>>) semaphore(%arg17 : memref<!tpu.dma_semaphore, #tpu.memory_space<semaphore_mem>>)
        } else {
        }
      } else {
      }
    }
    %scan3A_109 = arith.constant 8 : i32
    %dma_wait3A = arith.constant 7 : i32
    %dma_wait3A_110 = arith.constant 63 : i32
    %dma_wait3A_111 = arith.constant 0 : i32
    %dma_wait3A_112 = arith.constant 0 : i32
    %dma_wait3A_113 = tpu.memref_slice %arg8[%dma_wait3A, %dma_wait3A_111, %dma_wait3A_112] : memref<8x100x64xf32, #tpu.memory_space<vmem>> -> memref<1x100x64xf32, #tpu.memory_space<vmem>>
    %dma_wait3A_114 = tpu.memref_squeeze %dma_wait3A_113 : memref<1x100x64xf32, #tpu.memory_space<vmem>> -> memref<100x64xf32, #tpu.memory_space<vmem>>
    %dma_wait3A_115 = arith.constant 0 : i32
    %dma_wait3A_116 = tpu.memref_slice %arg7[%dma_wait3A_110, %dma_wait3A_115] : memref<64x100xi32, #tpu.memory_space<vmem>> -> memref<1x100xi32, #tpu.memory_space<vmem>>
    %dma_wait3A_117 = tpu.memref_squeeze %dma_wait3A_116 : memref<1x100xi32, #tpu.memory_space<vmem>> -> memref<100xi32, #tpu.memory_space<vmem>>
    %dma_wait3A_118 = arith.constant 0 : i32
    %dma_wait3A_119 = arith.constant 0 : i32
    %dma_wait3A_120 = tpu.memref_slice %arg10[%dma_wait3A_118, %dma_wait3A_119] : memref<2048x64xf32, #tpu.memory_space<vmem_shared>> -> memref<2048x64xf32, #tpu.memory_space<vmem_shared>>
    tpu.wait_indirect_dma semaphore(%arg26 : memref<!tpu.dma_semaphore, #tpu.memory_space<semaphore_mem>>) src(%dma_wait3A_114 : memref<100x64xf32, #tpu.memory_space<vmem>>) dst(%dma_wait3A_120 : memref<2048x64xf32, #tpu.memory_space<vmem_shared>>)
    %run_scoped3A = arith.constant 63 : i32
    "tpu.region"() ({
      %run_scoped3A_125 = tpu.sem_alloc : memref<!tpu.dma_semaphore, #tpu.memory_space<semaphore_mem>>
      %dma_start3A_126 = arith.constant 0 : i32
      %dma_start3A_127 = arith.constant 0 : i32
      %dma_start3A_128 = tpu.memref_slice %arg9[%dma_start3A_126, %dma_start3A_127] : memref<128x64xf32, #tpu.memory_space<vmem>> -> memref<100x64xf32, #tpu.memory_space<vmem>>
      %dma_start3A_129 = arith.constant 0 : i32
      %dma_start3A_130 = tpu.memref_slice %arg7[%run_scoped3A, %dma_start3A_129] : memref<64x100xi32, #tpu.memory_space<vmem>> -> memref<1x100xi32, #tpu.memory_space<vmem>>
      %dma_start3A_131 = tpu.memref_squeeze %dma_start3A_130 : memref<1x100xi32, #tpu.memory_space<vmem>> -> memref<100xi32, #tpu.memory_space<vmem>>
      %dma_start3A_132 = arith.constant 0 : i32
      %dma_start3A_133 = arith.constant 0 : i32
      %dma_start3A_134 = tpu.memref_slice %arg10[%dma_start3A_132, %dma_start3A_133] : memref<2048x64xf32, #tpu.memory_space<vmem_shared>> -> memref<2048x64xf32, #tpu.memory_space<vmem_shared>>
      tpu.enqueue_indirect_dma source(%dma_start3A_128 : memref<100x64xf32, #tpu.memory_space<vmem>>) target(%dma_start3A_134 : memref<2048x64xf32, #tpu.memory_space<vmem_shared>>) offsets(%dma_start3A_131 : memref<100xi32, #tpu.memory_space<vmem>>) semaphore(%run_scoped3A_125 : memref<!tpu.dma_semaphore, #tpu.memory_space<semaphore_mem>>) {add = true}
      %dma_wait3A_135 = arith.constant 0 : i32
      %dma_wait3A_136 = arith.constant 0 : i32
      %dma_wait3A_137 = tpu.memref_slice %arg9[%dma_wait3A_135, %dma_wait3A_136] : memref<128x64xf32, #tpu.memory_space<vmem>> -> memref<100x64xf32, #tpu.memory_space<vmem>>
      %dma_wait3A_138 = arith.constant 0 : i32
      %dma_wait3A_139 = tpu.memref_slice %arg7[%run_scoped3A, %dma_wait3A_138] : memref<64x100xi32, #tpu.memory_space<vmem>> -> memref<1x100xi32, #tpu.memory_space<vmem>>
      %dma_wait3A_140 = tpu.memref_squeeze %dma_wait3A_139 : memref<1x100xi32, #tpu.memory_space<vmem>> -> memref<100xi32, #tpu.memory_space<vmem>>
      %dma_wait3A_141 = arith.constant 0 : i32
      %dma_wait3A_142 = arith.constant 0 : i32
      %dma_wait3A_143 = tpu.memref_slice %arg10[%dma_wait3A_141, %dma_wait3A_142] : memref<2048x64xf32, #tpu.memory_space<vmem_shared>> -> memref<2048x64xf32, #tpu.memory_space<vmem_shared>>
      tpu.wait_indirect_dma semaphore(%run_scoped3A_125 : memref<!tpu.dma_semaphore, #tpu.memory_space<semaphore_mem>>) src(%dma_wait3A_137 : memref<100x64xf32, #tpu.memory_space<vmem>>) dst(%dma_wait3A_143 : memref<2048x64xf32, #tpu.memory_space<vmem_shared>>)
      tpu.yield
    }) : () -> ()
    %barrier3A = arith.constant 0 : index
    tpu.barrier barrier_id(%barrier3A)
    %mul3A_121 = arith.constant 128 : i32
    %mul3A_122 = arith.muli %arg1, %mul3A_121 : i32
    "tpu.region"() ({
      %run_scoped3A_125 = tpu.sem_alloc : memref<!tpu.dma_semaphore, #tpu.memory_space<semaphore_mem>>
      %dma_start3A_126 = arith.constant 0 : i32
      %dma_start3A_127 = tpu.memref_slice %arg10[%mul3A_122, %dma_start3A_126] : memref<2048x64xf32, #tpu.memory_space<vmem_shared>> -> memref<128x64xf32, #tpu.memory_space<vmem_shared>>
      %dma_start3A_128 = arith.constant 0 : i32
      %dma_start3A_129 = tpu.memref_slice %arg10[%mul3A_122, %dma_start3A_128] : memref<2048x64xf32, #tpu.memory_space<vmem_shared>> -> memref<128x64xf32, #tpu.memory_space<vmem_shared>>
      tpu.enqueue_dma source(%dma_start3A_129 : memref<128x64xf32, #tpu.memory_space<vmem_shared>>) target(%arg9 : memref<128x64xf32, #tpu.memory_space<vmem>>) target_semaphore(%run_scoped3A_125 : memref<!tpu.dma_semaphore, #tpu.memory_space<semaphore_mem>>)
      %dma_wait3A_130 = arith.constant 0 : i32
      %dma_wait3A_131 = tpu.memref_slice %arg10[%mul3A_122, %dma_wait3A_130] : memref<2048x64xf32, #tpu.memory_space<vmem_shared>> -> memref<128x64xf32, #tpu.memory_space<vmem_shared>>
      %dma_wait3A_132 = arith.constant 0 : i32
      %dma_wait3A_133 = tpu.memref_slice %arg10[%mul3A_122, %dma_wait3A_132] : memref<2048x64xf32, #tpu.memory_space<vmem_shared>> -> memref<128x64xf32, #tpu.memory_space<vmem_shared>>
      tpu.wait_dma2 semaphore(%run_scoped3A_125 : memref<!tpu.dma_semaphore, #tpu.memory_space<semaphore_mem>>) src(%dma_wait3A_133 : memref<128x64xf32, #tpu.memory_space<vmem_shared>>) dst(%arg9 : memref<128x64xf32, #tpu.memory_space<vmem>>)
      tpu.yield
    }) : () -> ()
    %mul3A_123 = arith.constant 128 : i32
    %mul3A_124 = arith.muli %add3A, %mul3A_123 : i32
    "tpu.region"() ({
      %run_scoped3A_125 = tpu.sem_alloc : memref<!tpu.dma_semaphore, #tpu.memory_space<semaphore_mem>>
      %dma_start3A_126 = arith.constant 0 : i32
      %dma_start3A_127 = tpu.memref_slice %arg5[%mul3A_124, %dma_start3A_126] : memref<4096x64xf32, #tpu.memory_space<hbm>> -> memref<128x64xf32, #tpu.memory_space<hbm>>
      %dma_start3A_128 = arith.constant 0 : i32
      %dma_start3A_129 = tpu.memref_slice %arg5[%mul3A_124, %dma_start3A_128] : memref<4096x64xf32, #tpu.memory_space<hbm>> -> memref<128x64xf32, #tpu.memory_space<hbm>>
      tpu.enqueue_dma source(%arg9 : memref<128x64xf32, #tpu.memory_space<vmem>>) target(%dma_start3A_129 : memref<128x64xf32, #tpu.memory_space<hbm>>) target_semaphore(%run_scoped3A_125 : memref<!tpu.dma_semaphore, #tpu.memory_space<semaphore_mem>>)
      %dma_wait3A_130 = arith.constant 0 : i32
      %dma_wait3A_131 = tpu.memref_slice %arg5[%mul3A_124, %dma_wait3A_130] : memref<4096x64xf32, #tpu.memory_space<hbm>> -> memref<128x64xf32, #tpu.memory_space<hbm>>
      %dma_wait3A_132 = arith.constant 0 : i32
      %dma_wait3A_133 = tpu.memref_slice %arg5[%mul3A_124, %dma_wait3A_132] : memref<4096x64xf32, #tpu.memory_space<hbm>> -> memref<128x64xf32, #tpu.memory_space<hbm>>
      tpu.wait_dma2 semaphore(%run_scoped3A_125 : memref<!tpu.dma_semaphore, #tpu.memory_space<semaphore_mem>>) src(%arg9 : memref<128x64xf32, #tpu.memory_space<vmem>>) dst(%dma_wait3A_133 : memref<128x64xf32, #tpu.memory_space<hbm>>)
      tpu.yield
    }) : () -> ()
    return
  }
}

#map = affine_map<(d0, d1) -> (0, 0, 0)>
#map1 = affine_map<(d0, d1) -> (0)>
module attributes {stable_mosaic.version = 14 : i64} {
  func.func @ids_kernel(%arg0: i32, %arg1: i32, %arg2: memref<32x50x128xi32, #tpu.memory_space<hbm>>, %arg3: memref<1000000xi32, #tpu.memory_space<hbm>>, %arg4: memref<32x50x128xi32, #tpu.memory_space<hbm>>, %arg5: memref<50x128xi32, #tpu.memory_space<vmem>>, %arg6: memref<50x128xi32, #tpu.memory_space<vmem>>, %arg7: memref<!tpu.dma_semaphore, #tpu.memory_space<semaphore_mem>>, %arg8: memref<!tpu.dma_semaphore, #tpu.memory_space<semaphore_mem>>, %arg9: memref<!tpu.dma_semaphore, #tpu.memory_space<semaphore_mem>>, %arg10: memref<!tpu.dma_semaphore, #tpu.memory_space<semaphore_mem>>) attributes {dimension_semantics = [#tpu.dimension_semantics<core_parallel>, #tpu.dimension_semantics<subcore_parallel>], iteration_bounds = array<i64: 2, 16>, scalar_prefetch = 0 : i64, scratch_operands = 6 : i64, tpu.core_type = #tpu.core_type<sc_vector_subcore>, window_params = [{transform_indices = #map}, {transform_indices = #map1}, {transform_indices = #map}]} {
    %mul3A = arith.constant 2 : i32
    %mul3A_0 = arith.muli %arg1, %mul3A : i32
    %add3A = arith.addi %mul3A_0, %arg0 : i32
    "tpu.region"() ({
      %run_scoped3A = tpu.sem_alloc : memref<!tpu.dma_semaphore, #tpu.memory_space<semaphore_mem>>
      %dma_start3A_64 = arith.constant 0 : i32
      %dma_start3A_65 = arith.constant 0 : i32
      %dma_start3A_66 = tpu.memref_slice %arg2[%add3A, %dma_start3A_64, %dma_start3A_65] : memref<32x50x128xi32, #tpu.memory_space<hbm>> -> memref<1x50x128xi32, #tpu.memory_space<hbm>>
      %dma_start3A_67 = tpu.memref_squeeze %dma_start3A_66 : memref<1x50x128xi32, #tpu.memory_space<hbm>> -> memref<50x128xi32, #tpu.memory_space<hbm>>
      %dma_start3A_68 = arith.constant 0 : i32
      %dma_start3A_69 = arith.constant 0 : i32
      %dma_start3A_70 = tpu.memref_slice %arg2[%add3A, %dma_start3A_68, %dma_start3A_69] : memref<32x50x128xi32, #tpu.memory_space<hbm>> -> memref<1x50x128xi32, #tpu.memory_space<hbm>>
      %dma_start3A_71 = tpu.memref_squeeze %dma_start3A_70 : memref<1x50x128xi32, #tpu.memory_space<hbm>> -> memref<50x128xi32, #tpu.memory_space<hbm>>
      tpu.enqueue_dma source(%dma_start3A_71 : memref<50x128xi32, #tpu.memory_space<hbm>>) target(%arg5 : memref<50x128xi32, #tpu.memory_space<vmem>>) target_semaphore(%run_scoped3A : memref<!tpu.dma_semaphore, #tpu.memory_space<semaphore_mem>>)
      %dma_wait3A_72 = arith.constant 0 : i32
      %dma_wait3A_73 = arith.constant 0 : i32
      %dma_wait3A_74 = tpu.memref_slice %arg2[%add3A, %dma_wait3A_72, %dma_wait3A_73] : memref<32x50x128xi32, #tpu.memory_space<hbm>> -> memref<1x50x128xi32, #tpu.memory_space<hbm>>
      %dma_wait3A_75 = tpu.memref_squeeze %dma_wait3A_74 : memref<1x50x128xi32, #tpu.memory_space<hbm>> -> memref<50x128xi32, #tpu.memory_space<hbm>>
      %dma_wait3A_76 = arith.constant 0 : i32
      %dma_wait3A_77 = arith.constant 0 : i32
      %dma_wait3A_78 = tpu.memref_slice %arg2[%add3A, %dma_wait3A_76, %dma_wait3A_77] : memref<32x50x128xi32, #tpu.memory_space<hbm>> -> memref<1x50x128xi32, #tpu.memory_space<hbm>>
      %dma_wait3A_79 = tpu.memref_squeeze %dma_wait3A_78 : memref<1x50x128xi32, #tpu.memory_space<hbm>> -> memref<50x128xi32, #tpu.memory_space<hbm>>
      tpu.wait_dma2 semaphore(%run_scoped3A : memref<!tpu.dma_semaphore, #tpu.memory_space<semaphore_mem>>) src(%dma_wait3A_79 : memref<50x128xi32, #tpu.memory_space<hbm>>) dst(%arg5 : memref<50x128xi32, #tpu.memory_space<vmem>>)
      tpu.yield
    }) : () -> ()
    %dma_start3A = arith.constant 0 : i32
    %dma_start3A_1 = arith.constant 0 : i32
    %dma_start3A_2 = arith.constant 0 : i32
    %dma_start3A_3 = tpu.memref_slice %arg6[%dma_start3A_1, %dma_start3A_2] : memref<50x128xi32, #tpu.memory_space<vmem>> -> memref<1x128xi32, #tpu.memory_space<vmem>>
    %dma_start3A_4 = tpu.memref_squeeze %dma_start3A_3 : memref<1x128xi32, #tpu.memory_space<vmem>> -> memref<128xi32, #tpu.memory_space<vmem>>
    %dma_start3A_5 = arith.constant 0 : i32
    %dma_start3A_6 = tpu.memref_slice %arg5[%dma_start3A, %dma_start3A_5] : memref<50x128xi32, #tpu.memory_space<vmem>> -> memref<1x128xi32, #tpu.memory_space<vmem>>
    %dma_start3A_7 = tpu.memref_squeeze %dma_start3A_6 : memref<1x128xi32, #tpu.memory_space<vmem>> -> memref<128xi32, #tpu.memory_space<vmem>>
    %dma_start3A_8 = arith.constant 0 : i32
    %dma_start3A_9 = tpu.memref_slice %arg3[%dma_start3A_8] : memref<1000000xi32, #tpu.memory_space<hbm>> -> memref<1000000xi32, #tpu.memory_space<hbm>>
    tpu.enqueue_indirect_dma source(%dma_start3A_9 : memref<1000000xi32, #tpu.memory_space<hbm>>) target(%dma_start3A_4 : memref<128xi32, #tpu.memory_space<vmem>>) offsets(%dma_start3A_7 : memref<128xi32, #tpu.memory_space<vmem>>) semaphore(%arg7 : memref<!tpu.dma_semaphore, #tpu.memory_space<semaphore_mem>>)
    %dma_start3A_10 = arith.constant 1 : i32
    %dma_start3A_11 = arith.constant 1 : i32
    %dma_start3A_12 = arith.constant 0 : i32
    %dma_start3A_13 = tpu.memref_slice %arg6[%dma_start3A_11, %dma_start3A_12] : memref<50x128xi32, #tpu.memory_space<vmem>> -> memref<1x128xi32, #tpu.memory_space<vmem>>
    %dma_start3A_14 = tpu.memref_squeeze %dma_start3A_13 : memref<1x128xi32, #tpu.memory_space<vmem>> -> memref<128xi32, #tpu.memory_space<vmem>>
    %dma_start3A_15 = arith.constant 0 : i32
    %dma_start3A_16 = tpu.memref_slice %arg5[%dma_start3A_10, %dma_start3A_15] : memref<50x128xi32, #tpu.memory_space<vmem>> -> memref<1x128xi32, #tpu.memory_space<vmem>>
    %dma_start3A_17 = tpu.memref_squeeze %dma_start3A_16 : memref<1x128xi32, #tpu.memory_space<vmem>> -> memref<128xi32, #tpu.memory_space<vmem>>
    %dma_start3A_18 = arith.constant 0 : i32
    %dma_start3A_19 = tpu.memref_slice %arg3[%dma_start3A_18] : memref<1000000xi32, #tpu.memory_space<hbm>> -> memref<1000000xi32, #tpu.memory_space<hbm>>
    tpu.enqueue_indirect_dma source(%dma_start3A_19 : memref<1000000xi32, #tpu.memory_space<hbm>>) target(%dma_start3A_14 : memref<128xi32, #tpu.memory_space<vmem>>) offsets(%dma_start3A_17 : memref<128xi32, #tpu.memory_space<vmem>>) semaphore(%arg8 : memref<!tpu.dma_semaphore, #tpu.memory_space<semaphore_mem>>)
    %dma_start3A_20 = arith.constant 2 : i32
    %dma_start3A_21 = arith.constant 2 : i32
    %dma_start3A_22 = arith.constant 0 : i32
    %dma_start3A_23 = tpu.memref_slice %arg6[%dma_start3A_21, %dma_start3A_22] : memref<50x128xi32, #tpu.memory_space<vmem>> -> memref<1x128xi32, #tpu.memory_space<vmem>>
    %dma_start3A_24 = tpu.memref_squeeze %dma_start3A_23 : memref<1x128xi32, #tpu.memory_space<vmem>> -> memref<128xi32, #tpu.memory_space<vmem>>
    %dma_start3A_25 = arith.constant 0 : i32
    %dma_start3A_26 = tpu.memref_slice %arg5[%dma_start3A_20, %dma_start3A_25] : memref<50x128xi32, #tpu.memory_space<vmem>> -> memref<1x128xi32, #tpu.memory_space<vmem>>
    %dma_start3A_27 = tpu.memref_squeeze %dma_start3A_26 : memref<1x128xi32, #tpu.memory_space<vmem>> -> memref<128xi32, #tpu.memory_space<vmem>>
    %dma_start3A_28 = arith.constant 0 : i32
    %dma_start3A_29 = tpu.memref_slice %arg3[%dma_start3A_28] : memref<1000000xi32, #tpu.memory_space<hbm>> -> memref<1000000xi32, #tpu.memory_space<hbm>>
    tpu.enqueue_indirect_dma source(%dma_start3A_29 : memref<1000000xi32, #tpu.memory_space<hbm>>) target(%dma_start3A_24 : memref<128xi32, #tpu.memory_space<vmem>>) offsets(%dma_start3A_27 : memref<128xi32, #tpu.memory_space<vmem>>) semaphore(%arg9 : memref<!tpu.dma_semaphore, #tpu.memory_space<semaphore_mem>>)
    %dma_start3A_30 = arith.constant 3 : i32
    %dma_start3A_31 = arith.constant 3 : i32
    %dma_start3A_32 = arith.constant 0 : i32
    %dma_start3A_33 = tpu.memref_slice %arg6[%dma_start3A_31, %dma_start3A_32] : memref<50x128xi32, #tpu.memory_space<vmem>> -> memref<1x128xi32, #tpu.memory_space<vmem>>
    %dma_start3A_34 = tpu.memref_squeeze %dma_start3A_33 : memref<1x128xi32, #tpu.memory_space<vmem>> -> memref<128xi32, #tpu.memory_space<vmem>>
    %dma_start3A_35 = arith.constant 0 : i32
    %dma_start3A_36 = tpu.memref_slice %arg5[%dma_start3A_30, %dma_start3A_35] : memref<50x128xi32, #tpu.memory_space<vmem>> -> memref<1x128xi32, #tpu.memory_space<vmem>>
    %dma_start3A_37 = tpu.memref_squeeze %dma_start3A_36 : memref<1x128xi32, #tpu.memory_space<vmem>> -> memref<128xi32, #tpu.memory_space<vmem>>
    %dma_start3A_38 = arith.constant 0 : i32
    %dma_start3A_39 = tpu.memref_slice %arg3[%dma_start3A_38] : memref<1000000xi32, #tpu.memory_space<hbm>> -> memref<1000000xi32, #tpu.memory_space<hbm>>
    tpu.enqueue_indirect_dma source(%dma_start3A_39 : memref<1000000xi32, #tpu.memory_space<hbm>>) target(%dma_start3A_34 : memref<128xi32, #tpu.memory_space<vmem>>) offsets(%dma_start3A_37 : memref<128xi32, #tpu.memory_space<vmem>>) semaphore(%arg10 : memref<!tpu.dma_semaphore, #tpu.memory_space<semaphore_mem>>)
    %scan3A = arith.constant 0 : i32
    %scan3A_40 = arith.constant 0 : i32
    %scan3A_41 = arith.constant 12 : i32
    %scan3A_42 = arith.addi %scan3A_40, %scan3A_41 : i32
    %scan3A_43 = arith.constant 1 : i32
    scf.for %scan3A_64 = %scan3A_40 to %scan3A_42 step %scan3A_43  : i32 {
      %mul3A_65 = arith.constant 4 : i32
      %mul3A_66 = arith.muli %scan3A_64, %mul3A_65 : i32
      %add3A_67 = arith.constant 0 : i32
      %add3A_68 = arith.addi %mul3A_66, %add3A_67 : i32
      %dma_wait3A_69 = arith.constant 0 : i32
      %dma_wait3A_70 = tpu.memref_slice %arg6[%add3A_68, %dma_wait3A_69] : memref<50x128xi32, #tpu.memory_space<vmem>> -> memref<1x128xi32, #tpu.memory_space<vmem>>
      %dma_wait3A_71 = tpu.memref_squeeze %dma_wait3A_70 : memref<1x128xi32, #tpu.memory_space<vmem>> -> memref<128xi32, #tpu.memory_space<vmem>>
      %dma_wait3A_72 = arith.constant 0 : i32
      %dma_wait3A_73 = tpu.memref_slice %arg5[%add3A_68, %dma_wait3A_72] : memref<50x128xi32, #tpu.memory_space<vmem>> -> memref<1x128xi32, #tpu.memory_space<vmem>>
      %dma_wait3A_74 = tpu.memref_squeeze %dma_wait3A_73 : memref<1x128xi32, #tpu.memory_space<vmem>> -> memref<128xi32, #tpu.memory_space<vmem>>
      %dma_wait3A_75 = arith.constant 0 : i32
      %dma_wait3A_76 = tpu.memref_slice %arg3[%dma_wait3A_75] : memref<1000000xi32, #tpu.memory_space<hbm>> -> memref<1000000xi32, #tpu.memory_space<hbm>>
      tpu.wait_indirect_dma semaphore(%arg7 : memref<!tpu.dma_semaphore, #tpu.memory_space<semaphore_mem>>) src(%dma_wait3A_76 : memref<1000000xi32, #tpu.memory_space<hbm>>) dst(%dma_wait3A_71 : memref<128xi32, #tpu.memory_space<vmem>>)
      %add3A_77 = arith.constant 4 : i32
      %add3A_78 = arith.addi %add3A_68, %add3A_77 : i32
      %lt3A = arith.constant 50 : i32
      %lt3A_79 = arith.cmpi slt, %add3A_78, %lt3A : i32
      %convert_element_type3A = arith.extui %lt3A_79 : i1 to i32
      %cond3A = arith.constant 0 : i32
      %cond3A_80 = arith.cmpi ne, %convert_element_type3A, %cond3A : i32
      scf.if %cond3A_80 {
        %add3A_138 = arith.constant 4 : i32
        %add3A_139 = arith.addi %add3A_68, %add3A_138 : i32
        %dma_start3A_140 = arith.constant 0 : i32
        %dma_start3A_141 = tpu.memref_slice %arg6[%add3A_139, %dma_start3A_140] : memref<50x128xi32, #tpu.memory_space<vmem>> -> memref<1x128xi32, #tpu.memory_space<vmem>>
        %dma_start3A_142 = tpu.memref_squeeze %dma_start3A_141 : memref<1x128xi32, #tpu.memory_space<vmem>> -> memref<128xi32, #tpu.memory_space<vmem>>
        %dma_start3A_143 = arith.constant 0 : i32
        %dma_start3A_144 = tpu.memref_slice %arg5[%add3A_139, %dma_start3A_143] : memref<50x128xi32, #tpu.memory_space<vmem>> -> memref<1x128xi32, #tpu.memory_space<vmem>>
        %dma_start3A_145 = tpu.memref_squeeze %dma_start3A_144 : memref<1x128xi32, #tpu.memory_space<vmem>> -> memref<128xi32, #tpu.memory_space<vmem>>
        %dma_start3A_146 = arith.constant 0 : i32
        %dma_start3A_147 = tpu.memref_slice %arg3[%dma_start3A_146] : memref<1000000xi32, #tpu.memory_space<hbm>> -> memref<1000000xi32, #tpu.memory_space<hbm>>
        tpu.enqueue_indirect_dma source(%dma_start3A_147 : memref<1000000xi32, #tpu.memory_space<hbm>>) target(%dma_start3A_142 : memref<128xi32, #tpu.memory_space<vmem>>) offsets(%dma_start3A_145 : memref<128xi32, #tpu.memory_space<vmem>>) semaphore(%arg7 : memref<!tpu.dma_semaphore, #tpu.memory_space<semaphore_mem>>)
      } else {
      }
      %mul3A_81 = arith.constant 4 : i32
      %mul3A_82 = arith.muli %scan3A_64, %mul3A_81 : i32
      %add3A_83 = arith.constant 1 : i32
      %add3A_84 = arith.addi %mul3A_82, %add3A_83 : i32
      %dma_wait3A_85 = arith.constant 0 : i32
      %dma_wait3A_86 = tpu.memref_slice %arg6[%add3A_84, %dma_wait3A_85] : memref<50x128xi32, #tpu.memory_space<vmem>> -> memref<1x128xi32, #tpu.memory_space<vmem>>
      %dma_wait3A_87 = tpu.memref_squeeze %dma_wait3A_86 : memref<1x128xi32, #tpu.memory_space<vmem>> -> memref<128xi32, #tpu.memory_space<vmem>>
      %dma_wait3A_88 = arith.constant 0 : i32
      %dma_wait3A_89 = tpu.memref_slice %arg5[%add3A_84, %dma_wait3A_88] : memref<50x128xi32, #tpu.memory_space<vmem>> -> memref<1x128xi32, #tpu.memory_space<vmem>>
      %dma_wait3A_90 = tpu.memref_squeeze %dma_wait3A_89 : memref<1x128xi32, #tpu.memory_space<vmem>> -> memref<128xi32, #tpu.memory_space<vmem>>
      %dma_wait3A_91 = arith.constant 0 : i32
      %dma_wait3A_92 = tpu.memref_slice %arg3[%dma_wait3A_91] : memref<1000000xi32, #tpu.memory_space<hbm>> -> memref<1000000xi32, #tpu.memory_space<hbm>>
      tpu.wait_indirect_dma semaphore(%arg8 : memref<!tpu.dma_semaphore, #tpu.memory_space<semaphore_mem>>) src(%dma_wait3A_92 : memref<1000000xi32, #tpu.memory_space<hbm>>) dst(%dma_wait3A_87 : memref<128xi32, #tpu.memory_space<vmem>>)
      %add3A_93 = arith.constant 4 : i32
      %add3A_94 = arith.addi %add3A_84, %add3A_93 : i32
      %lt3A_95 = arith.constant 50 : i32
      %lt3A_96 = arith.cmpi slt, %add3A_94, %lt3A_95 : i32
      %convert_element_type3A_97 = arith.extui %lt3A_96 : i1 to i32
      %cond3A_98 = arith.constant 0 : i32
      %cond3A_99 = arith.cmpi ne, %convert_element_type3A_97, %cond3A_98 : i32
      scf.if %cond3A_99 {
        %add3A_138 = arith.constant 4 : i32
        %add3A_139 = arith.addi %add3A_84, %add3A_138 : i32
        %dma_start3A_140 = arith.constant 0 : i32
        %dma_start3A_141 = tpu.memref_slice %arg6[%add3A_139, %dma_start3A_140] : memref<50x128xi32, #tpu.memory_space<vmem>> -> memref<1x128xi32, #tpu.memory_space<vmem>>
        %dma_start3A_142 = tpu.memref_squeeze %dma_start3A_141 : memref<1x128xi32, #tpu.memory_space<vmem>> -> memref<128xi32, #tpu.memory_space<vmem>>
        %dma_start3A_143 = arith.constant 0 : i32
        %dma_start3A_144 = tpu.memref_slice %arg5[%add3A_139, %dma_start3A_143] : memref<50x128xi32, #tpu.memory_space<vmem>> -> memref<1x128xi32, #tpu.memory_space<vmem>>
        %dma_start3A_145 = tpu.memref_squeeze %dma_start3A_144 : memref<1x128xi32, #tpu.memory_space<vmem>> -> memref<128xi32, #tpu.memory_space<vmem>>
        %dma_start3A_146 = arith.constant 0 : i32
        %dma_start3A_147 = tpu.memref_slice %arg3[%dma_start3A_146] : memref<1000000xi32, #tpu.memory_space<hbm>> -> memref<1000000xi32, #tpu.memory_space<hbm>>
        tpu.enqueue_indirect_dma source(%dma_start3A_147 : memref<1000000xi32, #tpu.memory_space<hbm>>) target(%dma_start3A_142 : memref<128xi32, #tpu.memory_space<vmem>>) offsets(%dma_start3A_145 : memref<128xi32, #tpu.memory_space<vmem>>) semaphore(%arg8 : memref<!tpu.dma_semaphore, #tpu.memory_space<semaphore_mem>>)
      } else {
      }
      %mul3A_100 = arith.constant 4 : i32
      %mul3A_101 = arith.muli %scan3A_64, %mul3A_100 : i32
      %add3A_102 = arith.constant 2 : i32
      %add3A_103 = arith.addi %mul3A_101, %add3A_102 : i32
      %dma_wait3A_104 = arith.constant 0 : i32
      %dma_wait3A_105 = tpu.memref_slice %arg6[%add3A_103, %dma_wait3A_104] : memref<50x128xi32, #tpu.memory_space<vmem>> -> memref<1x128xi32, #tpu.memory_space<vmem>>
      %dma_wait3A_106 = tpu.memref_squeeze %dma_wait3A_105 : memref<1x128xi32, #tpu.memory_space<vmem>> -> memref<128xi32, #tpu.memory_space<vmem>>
      %dma_wait3A_107 = arith.constant 0 : i32
      %dma_wait3A_108 = tpu.memref_slice %arg5[%add3A_103, %dma_wait3A_107] : memref<50x128xi32, #tpu.memory_space<vmem>> -> memref<1x128xi32, #tpu.memory_space<vmem>>
      %dma_wait3A_109 = tpu.memref_squeeze %dma_wait3A_108 : memref<1x128xi32, #tpu.memory_space<vmem>> -> memref<128xi32, #tpu.memory_space<vmem>>
      %dma_wait3A_110 = arith.constant 0 : i32
      %dma_wait3A_111 = tpu.memref_slice %arg3[%dma_wait3A_110] : memref<1000000xi32, #tpu.memory_space<hbm>> -> memref<1000000xi32, #tpu.memory_space<hbm>>
      tpu.wait_indirect_dma semaphore(%arg9 : memref<!tpu.dma_semaphore, #tpu.memory_space<semaphore_mem>>) src(%dma_wait3A_111 : memref<1000000xi32, #tpu.memory_space<hbm>>) dst(%dma_wait3A_106 : memref<128xi32, #tpu.memory_space<vmem>>)
      %add3A_112 = arith.constant 4 : i32
      %add3A_113 = arith.addi %add3A_103, %add3A_112 : i32
      %lt3A_114 = arith.constant 50 : i32
      %lt3A_115 = arith.cmpi slt, %add3A_113, %lt3A_114 : i32
      %convert_element_type3A_116 = arith.extui %lt3A_115 : i1 to i32
      %cond3A_117 = arith.constant 0 : i32
      %cond3A_118 = arith.cmpi ne, %convert_element_type3A_116, %cond3A_117 : i32
      scf.if %cond3A_118 {
        %add3A_138 = arith.constant 4 : i32
        %add3A_139 = arith.addi %add3A_103, %add3A_138 : i32
        %dma_start3A_140 = arith.constant 0 : i32
        %dma_start3A_141 = tpu.memref_slice %arg6[%add3A_139, %dma_start3A_140] : memref<50x128xi32, #tpu.memory_space<vmem>> -> memref<1x128xi32, #tpu.memory_space<vmem>>
        %dma_start3A_142 = tpu.memref_squeeze %dma_start3A_141 : memref<1x128xi32, #tpu.memory_space<vmem>> -> memref<128xi32, #tpu.memory_space<vmem>>
        %dma_start3A_143 = arith.constant 0 : i32
        %dma_start3A_144 = tpu.memref_slice %arg5[%add3A_139, %dma_start3A_143] : memref<50x128xi32, #tpu.memory_space<vmem>> -> memref<1x128xi32, #tpu.memory_space<vmem>>
        %dma_start3A_145 = tpu.memref_squeeze %dma_start3A_144 : memref<1x128xi32, #tpu.memory_space<vmem>> -> memref<128xi32, #tpu.memory_space<vmem>>
        %dma_start3A_146 = arith.constant 0 : i32
        %dma_start3A_147 = tpu.memref_slice %arg3[%dma_start3A_146] : memref<1000000xi32, #tpu.memory_space<hbm>> -> memref<1000000xi32, #tpu.memory_space<hbm>>
        tpu.enqueue_indirect_dma source(%dma_start3A_147 : memref<1000000xi32, #tpu.memory_space<hbm>>) target(%dma_start3A_142 : memref<128xi32, #tpu.memory_space<vmem>>) offsets(%dma_start3A_145 : memref<128xi32, #tpu.memory_space<vmem>>) semaphore(%arg9 : memref<!tpu.dma_semaphore, #tpu.memory_space<semaphore_mem>>)
      } else {
      }
      %mul3A_119 = arith.constant 4 : i32
      %mul3A_120 = arith.muli %scan3A_64, %mul3A_119 : i32
      %add3A_121 = arith.constant 3 : i32
      %add3A_122 = arith.addi %mul3A_120, %add3A_121 : i32
      %dma_wait3A_123 = arith.constant 0 : i32
      %dma_wait3A_124 = tpu.memref_slice %arg6[%add3A_122, %dma_wait3A_123] : memref<50x128xi32, #tpu.memory_space<vmem>> -> memref<1x128xi32, #tpu.memory_space<vmem>>
      %dma_wait3A_125 = tpu.memref_squeeze %dma_wait3A_124 : memref<1x128xi32, #tpu.memory_space<vmem>> -> memref<128xi32, #tpu.memory_space<vmem>>
      %dma_wait3A_126 = arith.constant 0 : i32
      %dma_wait3A_127 = tpu.memref_slice %arg5[%add3A_122, %dma_wait3A_126] : memref<50x128xi32, #tpu.memory_space<vmem>> -> memref<1x128xi32, #tpu.memory_space<vmem>>
      %dma_wait3A_128 = tpu.memref_squeeze %dma_wait3A_127 : memref<1x128xi32, #tpu.memory_space<vmem>> -> memref<128xi32, #tpu.memory_space<vmem>>
      %dma_wait3A_129 = arith.constant 0 : i32
      %dma_wait3A_130 = tpu.memref_slice %arg3[%dma_wait3A_129] : memref<1000000xi32, #tpu.memory_space<hbm>> -> memref<1000000xi32, #tpu.memory_space<hbm>>
      tpu.wait_indirect_dma semaphore(%arg10 : memref<!tpu.dma_semaphore, #tpu.memory_space<semaphore_mem>>) src(%dma_wait3A_130 : memref<1000000xi32, #tpu.memory_space<hbm>>) dst(%dma_wait3A_125 : memref<128xi32, #tpu.memory_space<vmem>>)
      %add3A_131 = arith.constant 4 : i32
      %add3A_132 = arith.addi %add3A_122, %add3A_131 : i32
      %lt3A_133 = arith.constant 50 : i32
      %lt3A_134 = arith.cmpi slt, %add3A_132, %lt3A_133 : i32
      %convert_element_type3A_135 = arith.extui %lt3A_134 : i1 to i32
      %cond3A_136 = arith.constant 0 : i32
      %cond3A_137 = arith.cmpi ne, %convert_element_type3A_135, %cond3A_136 : i32
      scf.if %cond3A_137 {
        %add3A_138 = arith.constant 4 : i32
        %add3A_139 = arith.addi %add3A_122, %add3A_138 : i32
        %dma_start3A_140 = arith.constant 0 : i32
        %dma_start3A_141 = tpu.memref_slice %arg6[%add3A_139, %dma_start3A_140] : memref<50x128xi32, #tpu.memory_space<vmem>> -> memref<1x128xi32, #tpu.memory_space<vmem>>
        %dma_start3A_142 = tpu.memref_squeeze %dma_start3A_141 : memref<1x128xi32, #tpu.memory_space<vmem>> -> memref<128xi32, #tpu.memory_space<vmem>>
        %dma_start3A_143 = arith.constant 0 : i32
        %dma_start3A_144 = tpu.memref_slice %arg5[%add3A_139, %dma_start3A_143] : memref<50x128xi32, #tpu.memory_space<vmem>> -> memref<1x128xi32, #tpu.memory_space<vmem>>
        %dma_start3A_145 = tpu.memref_squeeze %dma_start3A_144 : memref<1x128xi32, #tpu.memory_space<vmem>> -> memref<128xi32, #tpu.memory_space<vmem>>
        %dma_start3A_146 = arith.constant 0 : i32
        %dma_start3A_147 = tpu.memref_slice %arg3[%dma_start3A_146] : memref<1000000xi32, #tpu.memory_space<hbm>> -> memref<1000000xi32, #tpu.memory_space<hbm>>
        tpu.enqueue_indirect_dma source(%dma_start3A_147 : memref<1000000xi32, #tpu.memory_space<hbm>>) target(%dma_start3A_142 : memref<128xi32, #tpu.memory_space<vmem>>) offsets(%dma_start3A_145 : memref<128xi32, #tpu.memory_space<vmem>>) semaphore(%arg10 : memref<!tpu.dma_semaphore, #tpu.memory_space<semaphore_mem>>)
      } else {
      }
    }
    %scan3A_44 = arith.constant 12 : i32
    %dma_wait3A = arith.constant 48 : i32
    %dma_wait3A_45 = arith.constant 48 : i32
    %dma_wait3A_46 = arith.constant 0 : i32
    %dma_wait3A_47 = tpu.memref_slice %arg6[%dma_wait3A_45, %dma_wait3A_46] : memref<50x128xi32, #tpu.memory_space<vmem>> -> memref<1x128xi32, #tpu.memory_space<vmem>>
    %dma_wait3A_48 = tpu.memref_squeeze %dma_wait3A_47 : memref<1x128xi32, #tpu.memory_space<vmem>> -> memref<128xi32, #tpu.memory_space<vmem>>
    %dma_wait3A_49 = arith.constant 0 : i32
    %dma_wait3A_50 = tpu.memref_slice %arg5[%dma_wait3A, %dma_wait3A_49] : memref<50x128xi32, #tpu.memory_space<vmem>> -> memref<1x128xi32, #tpu.memory_space<vmem>>
    %dma_wait3A_51 = tpu.memref_squeeze %dma_wait3A_50 : memref<1x128xi32, #tpu.memory_space<vmem>> -> memref<128xi32, #tpu.memory_space<vmem>>
    %dma_wait3A_52 = arith.constant 0 : i32
    %dma_wait3A_53 = tpu.memref_slice %arg3[%dma_wait3A_52] : memref<1000000xi32, #tpu.memory_space<hbm>> -> memref<1000000xi32, #tpu.memory_space<hbm>>
    tpu.wait_indirect_dma semaphore(%arg7 : memref<!tpu.dma_semaphore, #tpu.memory_space<semaphore_mem>>) src(%dma_wait3A_53 : memref<1000000xi32, #tpu.memory_space<hbm>>) dst(%dma_wait3A_48 : memref<128xi32, #tpu.memory_space<vmem>>)
    %dma_wait3A_54 = arith.constant 49 : i32
    %dma_wait3A_55 = arith.constant 49 : i32
    %dma_wait3A_56 = arith.constant 0 : i32
    %dma_wait3A_57 = tpu.memref_slice %arg6[%dma_wait3A_55, %dma_wait3A_56] : memref<50x128xi32, #tpu.memory_space<vmem>> -> memref<1x128xi32, #tpu.memory_space<vmem>>
    %dma_wait3A_58 = tpu.memref_squeeze %dma_wait3A_57 : memref<1x128xi32, #tpu.memory_space<vmem>> -> memref<128xi32, #tpu.memory_space<vmem>>
    %dma_wait3A_59 = arith.constant 0 : i32
    %dma_wait3A_60 = tpu.memref_slice %arg5[%dma_wait3A_54, %dma_wait3A_59] : memref<50x128xi32, #tpu.memory_space<vmem>> -> memref<1x128xi32, #tpu.memory_space<vmem>>
    %dma_wait3A_61 = tpu.memref_squeeze %dma_wait3A_60 : memref<1x128xi32, #tpu.memory_space<vmem>> -> memref<128xi32, #tpu.memory_space<vmem>>
    %dma_wait3A_62 = arith.constant 0 : i32
    %dma_wait3A_63 = tpu.memref_slice %arg3[%dma_wait3A_62] : memref<1000000xi32, #tpu.memory_space<hbm>> -> memref<1000000xi32, #tpu.memory_space<hbm>>
    tpu.wait_indirect_dma semaphore(%arg8 : memref<!tpu.dma_semaphore, #tpu.memory_space<semaphore_mem>>) src(%dma_wait3A_63 : memref<1000000xi32, #tpu.memory_space<hbm>>) dst(%dma_wait3A_58 : memref<128xi32, #tpu.memory_space<vmem>>)
    "tpu.region"() ({
      %run_scoped3A = tpu.sem_alloc : memref<!tpu.dma_semaphore, #tpu.memory_space<semaphore_mem>>
      %dma_start3A_64 = arith.constant 0 : i32
      %dma_start3A_65 = arith.constant 0 : i32
      %dma_start3A_66 = tpu.memref_slice %arg4[%add3A, %dma_start3A_64, %dma_start3A_65] : memref<32x50x128xi32, #tpu.memory_space<hbm>> -> memref<1x50x128xi32, #tpu.memory_space<hbm>>
      %dma_start3A_67 = tpu.memref_squeeze %dma_start3A_66 : memref<1x50x128xi32, #tpu.memory_space<hbm>> -> memref<50x128xi32, #tpu.memory_space<hbm>>
      %dma_start3A_68 = arith.constant 0 : i32
      %dma_start3A_69 = arith.constant 0 : i32
      %dma_start3A_70 = tpu.memref_slice %arg4[%add3A, %dma_start3A_68, %dma_start3A_69] : memref<32x50x128xi32, #tpu.memory_space<hbm>> -> memref<1x50x128xi32, #tpu.memory_space<hbm>>
      %dma_start3A_71 = tpu.memref_squeeze %dma_start3A_70 : memref<1x50x128xi32, #tpu.memory_space<hbm>> -> memref<50x128xi32, #tpu.memory_space<hbm>>
      tpu.enqueue_dma source(%arg6 : memref<50x128xi32, #tpu.memory_space<vmem>>) target(%dma_start3A_71 : memref<50x128xi32, #tpu.memory_space<hbm>>) target_semaphore(%run_scoped3A : memref<!tpu.dma_semaphore, #tpu.memory_space<semaphore_mem>>)
      %dma_wait3A_72 = arith.constant 0 : i32
      %dma_wait3A_73 = arith.constant 0 : i32
      %dma_wait3A_74 = tpu.memref_slice %arg4[%add3A, %dma_wait3A_72, %dma_wait3A_73] : memref<32x50x128xi32, #tpu.memory_space<hbm>> -> memref<1x50x128xi32, #tpu.memory_space<hbm>>
      %dma_wait3A_75 = tpu.memref_squeeze %dma_wait3A_74 : memref<1x50x128xi32, #tpu.memory_space<hbm>> -> memref<50x128xi32, #tpu.memory_space<hbm>>
      %dma_wait3A_76 = arith.constant 0 : i32
      %dma_wait3A_77 = arith.constant 0 : i32
      %dma_wait3A_78 = tpu.memref_slice %arg4[%add3A, %dma_wait3A_76, %dma_wait3A_77] : memref<32x50x128xi32, #tpu.memory_space<hbm>> -> memref<1x50x128xi32, #tpu.memory_space<hbm>>
      %dma_wait3A_79 = tpu.memref_squeeze %dma_wait3A_78 : memref<1x50x128xi32, #tpu.memory_space<hbm>> -> memref<50x128xi32, #tpu.memory_space<hbm>>
      tpu.wait_dma2 semaphore(%run_scoped3A : memref<!tpu.dma_semaphore, #tpu.memory_space<semaphore_mem>>) src(%arg6 : memref<50x128xi32, #tpu.memory_space<vmem>>) dst(%dma_wait3A_79 : memref<50x128xi32, #tpu.memory_space<hbm>>)
      tpu.yield
    }) : () -> ()
    return
  }
}

</mosaic_0001>

<sc_bundles>
// kernel: kernel.4.cloned.1.call-start
scs
__scs_entry_jumppad:
0x0: {  	(pc) =	sbr.rel $0x88, $3  }
0x1: {  	(tag) =	ssettag $0x0;
	lr =	simm.s32 $0x1  }
0x2: {  	[smem:$0x3F9E] =	sst lr;
	_ =	strace $0xD0000000  }
0x3: {  	_ = 	snop  }
0x4: {  	_ = 	snop  }
0x5: {  	_ = 	snop  }
0x6: {  	_ = 	snop  }
0x7: {  	_ = 	snop  }
__scs_overlays_trampoline_lowered:
0x8: {  	[smem:$0x3FAD] =	sst s0  }
0x9: {  	[smem:$0x3FAE] =	sst s1  }
0xa: {  	[smem:$0x3FAF] =	sst s2  }
0xb: {  	[smem:$0x3FB0] =	sst s3  }
0xc: {  	[smem:$0x3FB1] =	sst s4  }
0xd: {  	[smem:$0x3FB2] =	sst s5  }
0xe: {  	[smem:$0x3FB3] =	sst s6  }
0xf: {  	[smem:$0x3FB4] =	sst s7  }
0x10: {  	[smem:$0x3FB5] =	sst s8  }
0x11: {  	[smem:$0x3FB6] =	sst s9;
	s0 =	simm.s32 @!p0 $0x0  }
0x12: {  	s1 =	sld [smem:$0x3F9C];
	s0 =	simm.s32 @p0 $0x1  }
0x13: {  	[smem:$0x3FB7] =	sst s0;
	s0 =	simm.s32 @!p1 $0x0  }
0x14: {  	s2 =	sld [smem:$0x3F9B];
	s0 =	simm.s32 @p1 $0x1  }
0x15: {  	[smem:$0x3FB8] =	sst s0;
	s0 =	simm.s32 @!p2 $0x0  }
0x16: {  	s3 =	sld [smem:$0x3FDB];
	s0 =	simm.s32 @p2 $0x1  }
0x17: {  	s4 =	simm.s32 $0x1BF5;
	[smem:$0x3FBA] =	sst s0  }
0x18: {  	s0 =	sld [smem:$0x3F9D];
	_ =	swait.ge [sflag:s4], $0x0  }
0x19: {  	s7 =	sld [smem:$0x3F9E]  }
0x1a: {  	s8 =	sadd.s32 $0xFFFFE003, lr  }
0x1b: {  	s9 =	sadd.s32 $0xFFFFFEF7, lr;
	s5 =	simm.s32 $0xFFFFFFFF;
	p2 =	slt.u32 s8, $0xFFFFF086  }
0x1c: {  	p1 =	slt.u32 s9, $0xF7A;
	s5 =	simm.s32 @!p2 $0x0  }
0x1d: {  	s5 =	simm.s32 @p1 $0x1;
	p0 =	seq.s32 s7, s2  }
0x1e: {  	s7 =	smul.u32 @!p0 $0xF7A, s2;
	p2 =	seq.s32 @!p0 s5, $0x0  }
0x1f: {  	s9 =	smul.u32 $0xF7A, s1;
	s8 =	simm.s32 @!p0 $0x1BF5;
	p2 =	por !p2, p0  }
0x20: {  	[sflag:s8] =	ssyncset.s32 @!p0 $0xFFFFF086;
	s6 =	sadd.s32 @!p0 s3, s7;
	s7 =	simm.s32 @!p0 $0x108  }
0x21: {  	s3 =	sadd.s32 s3, s9;
	s6 =	sadd.s32 @!p0 $0x88, s6;
	s7 =	simm.s32 @p2 $0x1082  }
0x22: {  	[simem:s7], [sflag:s8] =	dma.local @!p0 [hbm:s6], $0xF7A  }
0x23: {  	s9 =	sor.u32 $0xD0000000, s2;
	s6 =	simm.s32 $0x108;
	_ =	swait.ge @!p0 [sflag:s8], $0x0  }
0x24: {  	s3 =	sadd.s32 $0x88, s3;
	s6 =	simm.s32 @!p1 $0x1082;
	[sflag:s4] =	ssyncset.s32 $0xFFFFF086  }
0x25: {  	[simem:s6], [sflag:s4] =	dma.local [hbm:s3], $0xF7A  }
0x26: {  	[smem:$0x3F9E] =	sst s1;
	(tag) =	ssettag s2;
	_ =	strace s9  }
0x27: {  	s1 =	sld [smem:$0x3FAE]  }
0x28: {  	s2 =	sld [smem:$0x3FAF]  }
0x29: {  	s4 =	sld [smem:$0x3FB1]  }
0x2a: {  	p0 =	seq.s32 s5, $0x0;
	s5 =	sld [smem:$0x3FB2]  }
0x2b: {  	s6 =	sld [smem:$0x3FB3]  }
0x2c: {  	s7 =	sld [smem:$0x3FB4]  }
0x2d: {  	s3 =	simm.s32 $0x108;
	s8 =	sld [smem:$0x3FB5]  }
0x2e: {  	s3 =	simm.s32 @!p0 $0x1082;
	s9 =	sld [smem:$0x3FB6]  }
0x2f: {  	lr =	sadd.s32 s0, s3;
	s0 =	sld [smem:$0x3FAD]  }
0x30: {  	s3 =	sld [smem:$0x3FB0]  }
0x31: {  	[smem:$0x3FB9] =	sst s10  }
0x32: {  	s10 =	sld [smem:$0x3FB7];
	_ =	sdelay $0x3  }
0x33: {  	p0 =	seq.s32 s10, $0x1;
	s10 =	sld [smem:$0x3FB9];
	_ =	sdelay $0x3  }
0x34: {  	[smem:$0x3FB9] =	sst s10  }
0x35: {  	s10 =	sld [smem:$0x3FB8];
	_ =	sdelay $0x3  }
0x36: {  	p1 =	seq.s32 s10, $0x1;
	s10 =	sld [smem:$0x3FB9];
	_ =	sdelay $0x3  }
0x37: {  	[smem:$0x3FB9] =	sst s10  }
0x38: {  	s10 =	sld [smem:$0x3FBA]  }
0x39: {  	_ = 	snop;
	(pc) =	sbr.ind lr, $3  }
0x3a: {  	_ = 	snop  }
0x3b: {  	_ = 	snop  }
0x3c: {  	p2 =	seq.s32 s10, $0x1;
	s10 =	sld [smem:$0x3FB9]  }
0x3d: {  	_ =	shalt  }
0x3e: {  	_ =	shalt  }
0x3f: {  	_ =	shalt  }
0x40: {  	_ =	shalt  }
0x41: {  	_ =	shalt  }
0x42: {  	_ =	shalt  }
0x43: {  	_ =	shalt  }
0x44: {  	_ =	shalt  }
0x45: {  	_ =	shalt  }
0x46: {  	_ =	shalt  }
0x47: {  	_ =	shalt  }
0x48: {  	_ =	shalt  }
0x49: {  	_ =	shalt  }
0x4a: {  	_ =	shalt  }
0x4b: {  	_ =	shalt  }
0x4c: {  	_ =	shalt  }
0x4d: {  	_ =	shalt  }
0x4e: {  	_ =	shalt  }
0x4f: {  	_ =	shalt  }
0x50: {  	_ =	shalt  }
0x51: {  	_ =	shalt  }
0x52: {  	_ =	shalt  }
0x53: {  	_ =	shalt  }
0x54: {  	_ =	shalt  }
0x55: {  	_ =	shalt  }
0x56: {  	_ =	shalt  }
0x57: {  	_ =	shalt  }
0x58: {  	_ =	shalt  }
0x59: {  	_ =	shalt  }
0x5a: {  	_ =	shalt  }
0x5b: {  	_ =	shalt  }
0x5c: {  	_ =	shalt  }
0x5d: {  	_ =	shalt  }
0x5e: {  	_ =	shalt  }
0x5f: {  	_ =	shalt  }
0x60: {  	_ =	shalt  }
0x61: {  	_ =	shalt  }
0x62: {  	_ =	shalt  }
0x63: {  	_ =	shalt  }
0x64: {  	_ =	shalt  }
0x65: {  	_ =	shalt  }
0x66: {  	_ =	shalt  }
0x67: {  	_ =	shalt  }
0x68: {  	_ =	shalt  }
0x69: {  	_ =	shalt  }
0x6a: {  	_ =	shalt  }
0x6b: {  	_ =	shalt  }
0x6c: {  	_ =	shalt  }
0x6d: {  	_ =	shalt  }
0x6e: {  	_ =	shalt  }
0x6f: {  	_ =	shalt  }
0x70: {  	_ =	shalt  }
0x71: {  	_ =	shalt  }
0x72: {  	_ =	shalt  }
0x73: {  	_ =	shalt  }
0x74: {  	_ =	shalt  }
0x75: {  	_ =	shalt  }
0x76: {  	_ =	shalt  }
0x77: {  	_ =	shalt  }
0x78: {  	_ =	shalt  }
0x79: {  	_ =	shalt  }
0x7a: {  	_ =	shalt  }
0x7b: {  	_ =	shalt  }
0x7c: {  	_ =	shalt  }
0x7d: {  	_ =	shalt  }
0x7e: {  	_ =	shalt  }
0x7f: {  	_ =	shalt  }
0x80: {  	_ =	shalt  }
0x81: {  	_ =	shalt  }
0x82: {  	_ =	shalt  }
0x83: {  	_ =	shalt  }
0x84: {  	_ =	shalt  }
0x85: {  	_ =	shalt  }
0x86: {  	_ =	shalt  }
0x87: {  	_ =	shalt  }
.Lfunc_end0:
.L_simem_size_0:
called_computation_lowered:
.L_overlay_start_0:
0x88: {  	s2 =	sld [smem:$0x3FD9]  }
0x89: {  	s3 =	sld [smem:$0x3FFE];
	_ =	sdelay $0x1  }
0x8a: {  	s1 =	srdreg.scid  }
0x8b: {  	s0 =	sand.u32 $0x1, s1  }
0x8c: {  	s17 =	sshll.u32 s0, $0xA;
	s2 =	sadd.s32 s3, s2  }
0x8d: {  	s2 =	sadd.s32 s2, s17  }
0x8e: {  	[smem:$0x3FC5] =	sst s2  }
0x8f: {  	_ = 	snop  }
0x90: {  	s2 =	sld [smem:$0x3FC7]  }
0x91: {  	s18 =	sld [smem:$0x3FD0];
	(tm) =	ssettm $0x1  }
0x92: {  	s4 =	sld [smem:$0x3FFB];
	_ =	sdelay $0x3  }
0x93: {  	_ =	strace s4  }
0x94: {  	s4 =	sld [smem:$0x3FFC];
	_ =	sdelay $0x3  }
0x95: {  	_ =	strace s4  }
0x96: {  	s4 =	sld [smem:$0x3FFD];
	_ =	sdelay $0x3  }
0x97: {  	_ =	strace s4  }
0x98: {  	_ =	strace $0x8FFFFFFF  }
0x99: {  	s19 =	sld [smem:$0x3FDB];
	_ =	sdelay $0x1  }
0x9a: {  	s5 =	simm.s32 $_scs_section_size  }
0x9b: {  	s6 =	simm.s32 $_size__tile_overlayer_lowered;
	s7 =	simm.s32 $_tile_overlayer_lowered  }
0x9c: {  	s22 =	simm.s32 $0x1BFF;
	s21 =	sshll.u32 s7, $0x1;
	s4 =	sadd.s32 s5, s19  }
0x9d: {  	s8 =	simm.s32 $0x0;
	s20 =	sshll.u32 s6, $0x1;
	s6 =	sadd.s32 s21, s4  }
0x9e: {  	[timem:s8], [sflag:s22] =	dma.local [hbm:s6], s20  }
0x9f: {  	_ =	swait.ge [sflag:s22], s20  }
0xa0: {  	s5 =	ssub.s32 $0x0, s20;
	[sflag:s22] =	ssyncset.done $0x0  }
0xa1: {  	[sflag:s22] =	ssyncadd.s32 s5;
	_ =	sdelay $0x1  }
0xa2: {  	s23 =	simm.s32 $0x1B8B  }
0xa3: {  	_ =	swait.ge [sflag:s23], $0x1  }
0xa4: {  	[sflag:s23] =	ssyncset.done $0x0  }
0xa5: {  	s25 =	simm.s32 $0x1B8E;
	s24 =	sld [smem:$0x3FFE];
	[sflag:s23] =	ssyncadd.s32 $0xFFFFFFFF  }
0xa6: {  	s26 =	simm.s32 $execute0_lowered;
	[smem:$0x3FD2] =	sst s25  }
0xa7: {  	s6 =	sshll.u32 s26, $0x1;
	_ =	strace $0x80000046;
	[dreg:$0x1] =	wrdreg $0xFFFFFFFF  }
0xa8: {  	s28 =	simm.s32 $_size_execute0_lowered;
	s4 =	sadd.s32 s4, s6;
	[dreg:$0x0] =	wrdreg $0x0  }
0xa9: {  	s6 =	sshll.u32 s28, $0x1;
	[dreg:$0x2] =	wrdreg s4  }
0xaa: {  	[dreg:$0x3] =	wrdreg s6  }
0xab: {  	[dreg:$0x4] =	wrdreg $0xC0  }
0xac: {  	_ =	task [dreg:s8], $0x5FFFF  }
0xad: {  	[dreg:$0x1] =	wrdreg $0xFFFFFFFF  }
0xae: {  	[dreg:$0x0] =	wrdreg $0x60  }
0xaf: {  	[dreg:$0x2] =	wrdreg s18  }
0xb0: {  	[dreg:$0x3] =	wrdreg s2  }
0xb1: {  	[dreg:$0x4] =	wrdreg s24  }
0xb2: {  	[dreg:$0x5] =	wrdreg $0x9  }
0xb3: {  	_ =	task.clear_ibuf [dreg:s8], $0x6FFFF;
	_ =	strace $0x90000046  }
0xb4: {  	s29 =	simm.s32 $0x9;
	_ =	strace $0x80000048  }
0xb5: {  	_ =	swait.ge [sflag:s29], $0x1  }
0xb6: {  	[sflag:s29] =	ssyncadd.s32 $0xFFFFFFFF  }
0xb7: {  	_ =	strace $0x90000048  }
0xb8: {  	_ =	sfence  }
0xb9: {  	s30 =	sld [smem:$0x0];
	_ =	sdelay $0x2  }
0xba: {  	s31 =	sshll.u32 s1, $0xD;
	s1 =	sshrl.u32 s1, $0x2  }
0xbb: {  	s3 =	sand.u32 $0x4000, s31;
	s1 =	sadd.s32 s1, s30  }
0xbc: {  	s0 =	sor.u32 s3, s0;
	s1 =	sshll.u32 s1, $0x11  }
0xbd: {  	s0 =	sor.u32 s1, s0  }
0xbe: {  	s0 =	sadd.s32 $0x8F2B, s0  }
0xbf: {  	[sflag:s0] =	ssyncadd.remote.s32 $0x1  }
0xc0: {  	_ =	sfence.sel $0xFFFF  }
0xc1: {  	[dreg:$0x0] =	wrdreg $0xFFFFFFFF;
	(pc) =	sbr.abs _section_cstart, $3  }
0xc2: {  	[dreg:$0x1] =	wrdreg $0xFFFFFFFF  }
0xc3: {  	_ =	task.clear_ibuf [dreg:s8], $0x2FFFF;
	_ =	strace $0x9FFFFFFF  }
0xc4: {  	(tm) =	ssettm $0x7FFFFFFF  }
0xc5: {  	_ =	shalt  }
tec
execute0_lowered:
.L_overlay_start_1:
0x0: {  	(tag) =	ssettag $0x1  }
0x1: {  	s4 =	rddreg [dreg:$0x0];
	s1 =	srdreg.scid  }
0x2: {  	s0 =	stileid.u32;
	s2 =	rddreg [dreg:$0x1]  }
0x3: {  	s6 =	rddreg [dreg:$0x2];
	s3 =	simm.s32 $0x0;
	s9 =	simm.s32 $0x1900  }
0x4: {  	s10 =	simm.s32 $0x1980;
	s11 =	simm.s32 $0x100;
	s12 =	simm.s32 $0x1A00  }
0x5: {  	s13 =	simm.s32 $0x180;
	s14 =	simm.s32 $0x1A80;
	s15 =	simm.s32 $0x1  }
0x6: {  	s16 =	simm.s32 $0x2;
	s17 =	simm.s32 $0x3;
	s18 =	simm.s32 $0x4  }
0x7: {  	s19 =	simm.s32 $0x1800;
	s20 =	simm.s32 $0x3100;
	s21 =	simm.s32 $0x1880  }
0x8: {  	s22 =	simm.s32 $0x3180;
	s5 =	sand.u32 $0x1, s1;
	s31 =	sshll.u32 s0, $0x1  }
0x9: {  	s23 =	simm.s32 $0x0;
	s7 =	sor.u32 s5, s31;
	s5 =	ssub.s32 $0x2, s5  }
0xa: {  	[smem:$0x7FF] =	sst s3;
	s7 =	smul.u32 $0x320, s7;
	s8 =	sshrl.u32 s5, $0x1  }
0xb: {  	s1 =	rddreg [dreg:$0x3];
	_ =	strace $0x80000047;
	s8 =	ssub.s32 s5, s8  }
0xc: {  	s6 =	sadd.s32 s7, s6;
	s4 =	sadd.s32 s4, s7;
	s7 =	simm.s32 $0x5  }
0xd: {  	s5 =	sadd.s32 $0xA00, s6;
	s6 =	smax.u32 s8, $0x1;
	s8 =	simm.s32 $0x80  }
.LBB2_1:
0xe: {  	[tilespmem:s3], [sflag:$0x5] =	stream.linear.gather [hbm4b:s4+s3], $0x1900, $0x38;
	[tilespmem:$0x3200] =	vst v63  }
0xf: {  	_ =	swait.ge [sflag:s7], $0x1900  }
0x10: {  	[sflag:s7] =	ssyncset.done $0x0  }
0x11: {  	[sflag:s7] =	ssyncadd.s32 $0xFFFFE700  }
0x12: {  	[tilespmem:s9], [sflag:$0x1] =	stream.indirect.gather [hbm4b:s2+s8], $0x1, s3, s8, $0xb8;
	[tilespmem:$0x3200] =	vst v63  }
0x13: {  	_ = 	snop  }
0x14: {  	[tilespmem:s10], [sflag:$0x2] =	stream.indirect.gather [hbm4b:s2+s8], $0x1, s8, s8, $0xb8;
	[tilespmem:$0x3200] =	vst v63  }
0x15: {  	_ = 	snop  }
0x16: {  	[tilespmem:s12], [sflag:$0x3] =	stream.indirect.gather [hbm4b:s2+s8], $0x1, s11, s8, $0xb8;
	[tilespmem:$0x3200] =	vst v63  }
0x17: {  	_ = 	snop  }
0x18: {  	[tilespmem:s14], [sflag:$0x4] =	stream.indirect.gather [hbm4b:s2+s8], $0x1, s13, s8, $0xb8;
	[tilespmem:$0x3200] =	vst v63  }
0x19: {  	_ =	swait.ge [sflag:s15], $0x80  }
0x1a: {  	[sflag:s15] =	ssyncset.done $0x0  }
0x1b: {  	s24 =	simm.s32 $0x1B00;
	s25 =	simm.s32 $0x200;
	[sflag:s15] =	ssyncadd.s32 $0xFFFFFF80  }
0x1c: {  	[tilespmem:s24], [sflag:$0x1] =	stream.indirect.gather [hbm4b:s2+s8], $0x1, s25, s8, $0xb8;
	[tilespmem:$0x3200] =	vst v63  }
0x1d: {  	_ =	swait.ge [sflag:s16], $0x80  }
0x1e: {  	[sflag:s16] =	ssyncset.done $0x0  }
0x1f: {  	s28 =	simm.s32 $0x1B80;
	s29 =	simm.s32 $0x280;
	[sflag:s16] =	ssyncadd.s32 $0xFFFFFF80  }
0x20: {  	[tilespmem:s28], [sflag:$0x2] =	stream.indirect.gather [hbm4b:s2+s8], $0x1, s29, s8, $0xb8;
	[tilespmem:$0x3200] =	vst v63  }
0x21: {  	_ =	swait.ge [sflag:s17], $0x80  }
0x22: {  	[sflag:s17] =	ssyncset.done $0x0  }
0x23: {  	s30 =	simm.s32 $0x300;
	s31 =	simm.s32 $0x1C00;
	[sflag:s17] =	ssyncadd.s32 $0xFFFFFF80  }
0x24: {  	[tilespmem:s31], [sflag:$0x3] =	stream.indirect.gather [hbm4b:s2+s8], $0x1, s30, s8, $0xb8;
	[tilespmem:$0x3200] =	vst v63  }
0x25: {  	_ =	swait.ge [sflag:s18], $0x80  }
0x26: {  	s26 =	simm.s32 $0x380;
	[sflag:s18] =	ssyncset.done $0x0  }
0x27: {  	s24 =	simm.s32 $0x800;
	s25 =	simm.s32 $0x1C80;
	[sflag:s18] =	ssyncadd.s32 $0xFFFFFF80  }
.LBB2_2:
0x28: {  	[tilespmem:s25], [sflag:$0x4] =	stream.indirect.gather [hbm4b:s2+s8], $0x1, s26, s8, $0xb8;
	[tilespmem:$0x3200] =	vst v63  }
0x29: {  	s25 =	smov.u32 s24  }
0x2a: {  	p0 =	sne.s32 s24, $0x5000;
	s24 =	sadd.s32 $0x800, s24;
	_ =	swait.ge [sflag:s15], $0x80  }
0x2b: {  	s26 =	sshra.s32 s25, $0x2;
	[sflag:s15] =	ssyncset.done $0x0  }
0x2c: {  	s25 =	sadd.s32 $0x1B00, s26;
	s28 =	sadd.s32 $0x200, s26;
	[sflag:s15] =	ssyncadd.s32 $0xFFFFFF80  }
0x2d: {  	[tilespmem:s25], [sflag:$0x1] =	stream.indirect.gather [hbm4b:s2+s8], $0x1, s28, s8, $0xb8;
	[tilespmem:$0x3200] =	vst v63  }
0x2e: {  	_ =	swait.ge [sflag:s16], $0x80  }
0x2f: {  	[sflag:s16] =	ssyncset.done $0x0  }
0x30: {  	s25 =	sadd.s32 $0x1B80, s26;
	s28 =	sadd.s32 $0x280, s26;
	[sflag:s16] =	ssyncadd.s32 $0xFFFFFF80  }
0x31: {  	[tilespmem:s25], [sflag:$0x2] =	stream.indirect.gather [hbm4b:s2+s8], $0x1, s28, s8, $0xb8;
	[tilespmem:$0x3200] =	vst v63  }
0x32: {  	_ =	swait.ge [sflag:s17], $0x80  }
0x33: {  	s25 =	sadd.s32 $0x300, s26;
	[sflag:s17] =	ssyncset.done $0x0  }
.Ltmp0:
0x34: {  	s28 =	sadd.s32 $0x1C00, s26;
	[sflag:s17] =	ssyncadd.s32 $0xFFFFFF80;
	(pc) =	sbr.rel @p0 .LBB2_2-.Ltmp0, $4  }
0x35: {  	[tilespmem:s28], [sflag:$0x3] =	stream.indirect.gather [hbm4b:s2+s8], $0x1, s25, s8, $0xb8;
	[tilespmem:$0x3200] =	vst v63  }
0x36: {  	_ =	swait.ge [sflag:s18], $0x80  }
0x37: {  	[sflag:s18] =	ssyncset.done $0x0  }
0x38: {  	s25 =	sadd.s32 $0x1C80, s26;
	s26 =	sadd.s32 $0x380, s26;
	[sflag:s18] =	ssyncadd.s32 $0xFFFFFF80  }
0x39: {  	[tilespmem:s25], [sflag:$0x4] =	stream.indirect.gather [hbm4b:s2+s8], $0x1, s26, s8, $0xb8;
	[tilespmem:$0x3200] =	vst v63  }
0x3a: {  	_ =	swait.ge [sflag:s15], $0x80  }
0x3b: {  	[sflag:s15] =	ssyncset.done $0x0  }
0x3c: {  	[sflag:s15] =	ssyncadd.s32 $0xFFFFFF80  }
0x3d: {  	[tilespmem:s20], [sflag:$0x1] =	stream.indirect.gather [hbm4b:s2+s8], $0x1, s19, s8, $0xb8;
	[tilespmem:$0x3200] =	vst v63  }
0x3e: {  	_ =	swait.ge [sflag:s16], $0x80  }
0x3f: {  	[sflag:s16] =	ssyncset.done $0x0  }
0x40: {  	[sflag:s16] =	ssyncadd.s32 $0xFFFFFF80  }
0x41: {  	[tilespmem:s22], [sflag:$0x2] =	stream.indirect.gather [hbm4b:s2+s8], $0x1, s21, s8, $0xb8;
	[tilespmem:$0x3200] =	vst v63  }
0x42: {  	_ =	swait.ge [sflag:s17], $0x80  }
0x43: {  	[sflag:s17] =	ssyncset.done $0x0  }
0x44: {  	[sflag:s17] =	ssyncadd.s32 $0xFFFFFF80  }
0x45: {  	_ =	swait.ge [sflag:s18], $0x80  }
0x46: {  	[sflag:s18] =	ssyncset.done $0x0  }
0x47: {  	[sflag:s18] =	ssyncadd.s32 $0xFFFFFF80  }
0x48: {  	_ =	swait.ge [sflag:s15], $0x80  }
0x49: {  	[sflag:s15] =	ssyncset.done $0x0  }
0x4a: {  	[sflag:s15] =	ssyncadd.s32 $0xFFFFFF80  }
0x4b: {  	s23 =	sadd.s32 $0x1, s23;
	_ =	swait.ge [sflag:s16], $0x80  }
0x4c: {  	p0 =	sne.s32 s23, s6;
	[sflag:s16] =	ssyncset.done $0x0  }
.Ltmp1:
0x4d: {  	[sflag:s16] =	ssyncadd.s32 $0xFFFFFF80;
	(pc) =	sbr.rel @p0 .LBB2_1-.Ltmp1, $4  }
0x4e: {  	[hbm4b:s5+s3] =	stream.linear.scatter [tilespmem:s9], [sflag:$0x5], $0x1900, $0x38;
	[tilespmem:$0x3200] =	vst v63  }
0x4f: {  	_ =	swait.ge [sflag:s7], $0x1900  }
0x50: {  	[sflag:s7] =	ssyncset.done $0x0  }
0x51: {  	[sflag:s7] =	ssyncadd.s32 $0xFFFFE700  }
0x52: {  	_ =	sfence.sel $0x180000  }
0x53: {  	[bflag:$0x0] =	sbarrier.arrive $0xFFFF  }
0x54: {  	p0 =	sne.s32 s0, $0x0;
	_ =	strace $0x90000047  }
0x55: {  	s0 =	sadd.s32 @!p0 $0x100000, s1;
	[bflag:$0x2] =	sbarrier.arrive $0xFFFF  }
0x56: {  	[sflag:s0] =	ssyncadd.tile.s32 @!p0 $0x1;
	_ =	shalt  }
.Lfunc_end2:
_tile_overlayer_lowered:
.L_overlay_start_2:
0x57: {  	(tag) =	ssettag $0x2  }
0x58: {  	s0 =	rddreg [dreg:$0x0];
	s2 =	stileid.u32  }
0x59: {  	s1 =	rddreg [dreg:$0x1];
	p0 =	sne.s32 s2, $0x0  }
0x5a: {  	s3 =	rddreg [dreg:$0x2];
	[bflag:$0x3] =	sbarrier.arrive $0xFFFF;
	s2 =	simm.s32 @!p0 $0x1C05  }
0x5b: {  	[timem:s3], [sflag:s2] =	dma.local @!p0 [hbm:s0], s1  }
0x5c: {  	s0 =	simm.s32 @!p0 $0x5  }
0x5d: {  	_ =	swait.ge @!p0 [sflag:s0], s1  }
0x5e: {  	s1 =	ssub.s32 @!p0 $0x0, s1;
	[sflag:s0] =	ssyncset.done @!p0 $0x0  }
0x5f: {  	[sflag:s0] =	ssyncadd.s32 @!p0 s1  }
0x60: {  	[bflag:$0x3] =	sbarrier.arrive $0xFFFF  }
0x61: {  	_ =	shalt  }

// kernel: kernel.7.cloned.1.call-start
scs
__scs_entry_jumppad:
0x0: {  	(pc) =	sbr.rel $0x88, $3  }
0x1: {  	(tag) =	ssettag $0x0;
	lr =	simm.s32 $0x1  }
0x2: {  	[smem:$0x3F9E] =	sst lr;
	_ =	strace $0xD0000000  }
0x3: {  	_ = 	snop  }
0x4: {  	_ = 	snop  }
0x5: {  	_ = 	snop  }
0x6: {  	_ = 	snop  }
0x7: {  	_ = 	snop  }
__scs_overlays_trampoline_lowered:
0x8: {  	[smem:$0x3FAD] =	sst s0  }
0x9: {  	[smem:$0x3FAE] =	sst s1  }
0xa: {  	[smem:$0x3FAF] =	sst s2  }
0xb: {  	[smem:$0x3FB0] =	sst s3  }
0xc: {  	[smem:$0x3FB1] =	sst s4  }
0xd: {  	[smem:$0x3FB2] =	sst s5  }
0xe: {  	[smem:$0x3FB3] =	sst s6  }
0xf: {  	[smem:$0x3FB4] =	sst s7  }
0x10: {  	[smem:$0x3FB5] =	sst s8  }
0x11: {  	[smem:$0x3FB6] =	sst s9;
	s0 =	simm.s32 @!p0 $0x0  }
0x12: {  	s1 =	sld [smem:$0x3F9C];
	s0 =	simm.s32 @p0 $0x1  }
0x13: {  	[smem:$0x3FB7] =	sst s0;
	s0 =	simm.s32 @!p1 $0x0  }
0x14: {  	s2 =	sld [smem:$0x3F9B];
	s0 =	simm.s32 @p1 $0x1  }
0x15: {  	[smem:$0x3FB8] =	sst s0;
	s0 =	simm.s32 @!p2 $0x0  }
0x16: {  	s3 =	sld [smem:$0x3FDB];
	s0 =	simm.s32 @p2 $0x1  }
0x17: {  	s4 =	simm.s32 $0x1BF5;
	[smem:$0x3FBA] =	sst s0  }
0x18: {  	s0 =	sld [smem:$0x3F9D];
	_ =	swait.ge [sflag:s4], $0x0  }
0x19: {  	s7 =	sld [smem:$0x3F9E]  }
0x1a: {  	s8 =	sadd.s32 $0xFFFFE003, lr  }
0x1b: {  	s9 =	sadd.s32 $0xFFFFFEF7, lr;
	s5 =	simm.s32 $0xFFFFFFFF;
	p2 =	slt.u32 s8, $0xFFFFF086  }
0x1c: {  	p1 =	slt.u32 s9, $0xF7A;
	s5 =	simm.s32 @!p2 $0x0  }
0x1d: {  	s5 =	simm.s32 @p1 $0x1;
	p0 =	seq.s32 s7, s2  }
0x1e: {  	s7 =	smul.u32 @!p0 $0xF7A, s2;
	p2 =	seq.s32 @!p0 s5, $0x0  }
0x1f: {  	s9 =	smul.u32 $0xF7A, s1;
	s8 =	simm.s32 @!p0 $0x1BF5;
	p2 =	por !p2, p0  }
0x20: {  	[sflag:s8] =	ssyncset.s32 @!p0 $0xFFFFF086;
	s6 =	sadd.s32 @!p0 s3, s7;
	s7 =	simm.s32 @!p0 $0x108  }
0x21: {  	s3 =	sadd.s32 s3, s9;
	s6 =	sadd.s32 @!p0 $0x88, s6;
	s7 =	simm.s32 @p2 $0x1082  }
0x22: {  	[simem:s7], [sflag:s8] =	dma.local @!p0 [hbm:s6], $0xF7A  }
0x23: {  	s9 =	sor.u32 $0xD0000000, s2;
	s6 =	simm.s32 $0x108;
	_ =	swait.ge @!p0 [sflag:s8], $0x0  }
0x24: {  	s3 =	sadd.s32 $0x88, s3;
	s6 =	simm.s32 @!p1 $0x1082;
	[sflag:s4] =	ssyncset.s32 $0xFFFFF086  }
0x25: {  	[simem:s6], [sflag:s4] =	dma.local [hbm:s3], $0xF7A  }
0x26: {  	[smem:$0x3F9E] =	sst s1;
	(tag) =	ssettag s2;
	_ =	strace s9  }
0x27: {  	s1 =	sld [smem:$0x3FAE]  }
0x28: {  	s2 =	sld [smem:$0x3FAF]  }
0x29: {  	s4 =	sld [smem:$0x3FB1]  }
0x2a: {  	p0 =	seq.s32 s5, $0x0;
	s5 =	sld [smem:$0x3FB2]  }
0x2b: {  	s6 =	sld [smem:$0x3FB3]  }
0x2c: {  	s7 =	sld [smem:$0x3FB4]  }
0x2d: {  	s3 =	simm.s32 $0x108;
	s8 =	sld [smem:$0x3FB5]  }
0x2e: {  	s3 =	simm.s32 @!p0 $0x1082;
	s9 =	sld [smem:$0x3FB6]  }
0x2f: {  	lr =	sadd.s32 s0, s3;
	s0 =	sld [smem:$0x3FAD]  }
0x30: {  	s3 =	sld [smem:$0x3FB0]  }
0x31: {  	[smem:$0x3FB9] =	sst s10  }
0x32: {  	s10 =	sld [smem:$0x3FB7];
	_ =	sdelay $0x3  }
0x33: {  	p0 =	seq.s32 s10, $0x1;
	s10 =	sld [smem:$0x3FB9];
	_ =	sdelay $0x3  }
0x34: {  	[smem:$0x3FB9] =	sst s10  }
0x35: {  	s10 =	sld [smem:$0x3FB8];
	_ =	sdelay $0x3  }
0x36: {  	p1 =	seq.s32 s10, $0x1;
	s10 =	sld [smem:$0x3FB9];
	_ =	sdelay $0x3  }
0x37: {  	[smem:$0x3FB9] =	sst s10  }
0x38: {  	s10 =	sld [smem:$0x3FBA]  }
0x39: {  	_ = 	snop;
	(pc) =	sbr.ind lr, $3  }
0x3a: {  	_ = 	snop  }
0x3b: {  	_ = 	snop  }
0x3c: {  	p2 =	seq.s32 s10, $0x1;
	s10 =	sld [smem:$0x3FB9]  }
0x3d: {  	_ =	shalt  }
0x3e: {  	_ =	shalt  }
0x3f: {  	_ =	shalt  }
0x40: {  	_ =	shalt  }
0x41: {  	_ =	shalt  }
0x42: {  	_ =	shalt  }
0x43: {  	_ =	shalt  }
0x44: {  	_ =	shalt  }
0x45: {  	_ =	shalt  }
0x46: {  	_ =	shalt  }
0x47: {  	_ =	shalt  }
0x48: {  	_ =	shalt  }
0x49: {  	_ =	shalt  }
0x4a: {  	_ =	shalt  }
0x4b: {  	_ =	shalt  }
0x4c: {  	_ =	shalt  }
0x4d: {  	_ =	shalt  }
0x4e: {  	_ =	shalt  }
0x4f: {  	_ =	shalt  }
0x50: {  	_ =	shalt  }
0x51: {  	_ =	shalt  }
0x52: {  	_ =	shalt  }
0x53: {  	_ =	shalt  }
0x54: {  	_ =	shalt  }
0x55: {  	_ =	shalt  }
0x56: {  	_ =	shalt  }
0x57: {  	_ =	shalt  }
0x58: {  	_ =	shalt  }
0x59: {  	_ =	shalt  }
0x5a: {  	_ =	shalt  }
0x5b: {  	_ =	shalt  }
0x5c: {  	_ =	shalt  }
0x5d: {  	_ =	shalt  }
0x5e: {  	_ =	shalt  }
0x5f: {  	_ =	shalt  }
0x60: {  	_ =	shalt  }
0x61: {  	_ =	shalt  }
0x62: {  	_ =	shalt  }
0x63: {  	_ =	shalt  }
0x64: {  	_ =	shalt  }
0x65: {  	_ =	shalt  }
0x66: {  	_ =	shalt  }
0x67: {  	_ =	shalt  }
0x68: {  	_ =	shalt  }
0x69: {  	_ =	shalt  }
0x6a: {  	_ =	shalt  }
0x6b: {  	_ =	shalt  }
0x6c: {  	_ =	shalt  }
0x6d: {  	_ =	shalt  }
0x6e: {  	_ =	shalt  }
0x6f: {  	_ =	shalt  }
0x70: {  	_ =	shalt  }
0x71: {  	_ =	shalt  }
0x72: {  	_ =	shalt  }
0x73: {  	_ =	shalt  }
0x74: {  	_ =	shalt  }
0x75: {  	_ =	shalt  }
0x76: {  	_ =	shalt  }
0x77: {  	_ =	shalt  }
0x78: {  	_ =	shalt  }
0x79: {  	_ =	shalt  }
0x7a: {  	_ =	shalt  }
0x7b: {  	_ =	shalt  }
0x7c: {  	_ =	shalt  }
0x7d: {  	_ =	shalt  }
0x7e: {  	_ =	shalt  }
0x7f: {  	_ =	shalt  }
0x80: {  	_ =	shalt  }
0x81: {  	_ =	shalt  }
0x82: {  	_ =	shalt  }
0x83: {  	_ =	shalt  }
0x84: {  	_ =	shalt  }
0x85: {  	_ =	shalt  }
0x86: {  	_ =	shalt  }
0x87: {  	_ =	shalt  }
.Lfunc_end0:
.L_simem_size_0:
called_computation.1_lowered:
.L_overlay_start_0:
0x88: {  	s2 =	sld [smem:$0x3FD9]  }
0x89: {  	s3 =	sld [smem:$0x3FFE];
	_ =	sdelay $0x1  }
0x8a: {  	s1 =	srdreg.scid  }
0x8b: {  	s0 =	sand.u32 $0x1, s1  }
0x8c: {  	s17 =	sshll.u32 s0, $0xA;
	s2 =	sadd.s32 s3, s2  }
0x8d: {  	s2 =	sadd.s32 s2, s17  }
0x8e: {  	[smem:$0x3FC5] =	sst s2  }
0x8f: {  	_ = 	snop  }
0x90: {  	s2 =	sld [smem:$0x3FD0];
	(tm) =	ssettm $0x1  }
0x91: {  	s18 =	sld [smem:$0x3FFB];
	_ =	sdelay $0x3  }
0x92: {  	_ =	strace s18  }
0x93: {  	s3 =	sld [smem:$0x3FFC];
	_ =	sdelay $0x3  }
0x94: {  	_ =	strace s3  }
0x95: {  	s3 =	sld [smem:$0x3FFD];
	_ =	sdelay $0x3  }
0x96: {  	_ =	strace s3  }
0x97: {  	_ =	strace $0x8FFFFFFF  }
0x98: {  	s19 =	sld [smem:$0x3FDB];
	_ =	sdelay $0x1  }
0x99: {  	s4 =	simm.s32 $_scs_section_size  }
0x9a: {  	s5 =	simm.s32 $_size__tile_overlayer_lowered;
	s6 =	simm.s32 $_tile_overlayer_lowered  }
0x9b: {  	s22 =	simm.s32 $0x1BFF;
	s21 =	sshll.u32 s6, $0x1;
	s3 =	sadd.s32 s4, s19  }
0x9c: {  	s7 =	simm.s32 $0x0;
	s20 =	sshll.u32 s5, $0x1;
	s5 =	sadd.s32 s21, s3  }
0x9d: {  	[timem:s7], [sflag:s22] =	dma.local [hbm:s5], s20  }
0x9e: {  	_ =	swait.ge [sflag:s22], s20  }
0x9f: {  	s4 =	ssub.s32 $0x0, s20;
	[sflag:s22] =	ssyncset.done $0x0  }
0xa0: {  	[sflag:s22] =	ssyncadd.s32 s4;
	_ =	sdelay $0x1  }
0xa1: {  	s23 =	simm.s32 $0x1B8B  }
0xa2: {  	_ =	swait.ge [sflag:s23], $0x1  }
0xa3: {  	[sflag:s23] =	ssyncset.done $0x0  }
0xa4: {  	s25 =	simm.s32 $0x1B8E;
	s24 =	sld [smem:$0x3FFE];
	[sflag:s23] =	ssyncadd.s32 $0xFFFFFFFF  }
0xa5: {  	s26 =	simm.s32 $execute0_lowered;
	[smem:$0x3FD2] =	sst s25  }
0xa6: {  	s5 =	sshll.u32 s26, $0x1;
	_ =	strace $0x80000049;
	[dreg:$0x1] =	wrdreg $0xFFFFFFFF  }
0xa7: {  	s28 =	simm.s32 $_size_execute0_lowered;
	s3 =	sadd.s32 s3, s5;
	[dreg:$0x0] =	wrdreg $0x0  }
0xa8: {  	s5 =	sshll.u32 s28, $0x1;
	[dreg:$0x2] =	wrdreg s3  }
0xa9: {  	[dreg:$0x3] =	wrdreg s5  }
0xaa: {  	[dreg:$0x4] =	wrdreg $0xC0  }
0xab: {  	_ =	task [dreg:s7], $0x5FFFF  }
0xac: {  	[dreg:$0x1] =	wrdreg $0xFFFFFFFF  }
0xad: {  	[dreg:$0x0] =	wrdreg $0x60  }
0xae: {  	[dreg:$0x2] =	wrdreg s24  }
0xaf: {  	[dreg:$0x3] =	wrdreg s2  }
0xb0: {  	[dreg:$0x4] =	wrdreg $0x11C000  }
0xb1: {  	[dreg:$0x5] =	wrdreg $0x9  }
0xb2: {  	_ =	task.clear_ibuf [dreg:s7], $0x6FFFF;
	_ =	strace $0x90000049  }
0xb3: {  	s29 =	simm.s32 $0x9;
	_ =	strace $0x8000004B  }
0xb4: {  	_ =	swait.ge [sflag:s29], $0x1  }
0xb5: {  	[sflag:s29] =	ssyncadd.s32 $0xFFFFFFFF  }
0xb6: {  	_ =	strace $0x9000004B  }
0xb7: {  	_ =	sfence  }
0xb8: {  	s30 =	sld [smem:$0x0];
	_ =	sdelay $0x2  }
0xb9: {  	s31 =	sshll.u32 s1, $0xD;
	s1 =	sshrl.u32 s1, $0x2  }
0xba: {  	s3 =	sand.u32 $0x4000, s31;
	s1 =	sadd.s32 s1, s30  }
0xbb: {  	s0 =	sor.u32 s3, s0;
	s1 =	sshll.u32 s1, $0x11  }
0xbc: {  	s0 =	sor.u32 s1, s0  }
0xbd: {  	s0 =	sadd.s32 $0x8F2B, s0  }
0xbe: {  	[sflag:s0] =	ssyncadd.remote.s32 $0x1  }
0xbf: {  	_ =	sfence.sel $0xFFFF  }
0xc0: {  	[dreg:$0x0] =	wrdreg $0xFFFFFFFF;
	(pc) =	sbr.abs _section_cstart, $3  }
0xc1: {  	[dreg:$0x1] =	wrdreg $0xFFFFFFFF  }
0xc2: {  	_ =	task.clear_ibuf [dreg:s7], $0x2FFFF;
	_ =	strace $0x9FFFFFFF  }
0xc3: {  	(tm) =	ssettm $0x7FFFFFFF  }
tec
execute0_lowered:
.L_overlay_start_1:
0x0: {  	(tag) =	ssettag $0x1  }
0x1: {  	s0 =	rddreg [dreg:$0x0]  }
0x2: {  	s1 =	srdreg.scid;
	s5 =	rddreg [dreg:$0x1]  }
0x3: {  	s9 =	stileid.u32;
	s2 =	rddreg [dreg:$0x2]  }
0x4: {  	s10 =	simm.s32 $0x11;
	s12 =	simm.s32 $0xFC00;
	s13 =	simm.s32 $0x64  }
0x5: {  	s14 =	simm.s32 $0x3400;
	s16 =	simm.s32 $0x4D00;
	s20 =	simm.s32 $0x7F00  }
0x6: {  	s29 =	simm.s32 $0xE300;
	s30 =	simm.s32 $0x1;
	s31 =	simm.s32 $0x2  }
0x7: {  	s11 =	simm.s32 $0xB;
	s15 =	simm.s32 $0x6;
	s17 =	simm.s32 $0xD  }
0x8: {  	s18 =	simm.s32 $0x8;
	s19 =	simm.s32 $0xF;
	s1 =	sand.u32 $0x1, s1  }
0x9: {  	s3 =	sshll.u32 s9, $0x1;
	s7 =	smul.u32 $0x340, s9;
	s25 =	sshll.u32 s9, $0xD  }
0xa: {  	s6 =	sor.u32 s1, s3;
	s3 =	simm.s32 $0x0;
	s1 =	ssub.s32 $0x2, s1  }
0xb: {  	s4 =	smul.u32 $0x340, s6;
	[smem:$0x7FF] =	sst s3;
	s23 =	sshrl.u32 s1, $0x1  }
0xc: {  	s26 =	sshll.u32 s6, $0xA;
	_ =	strace $0x8000004A;
	s1 =	ssub.s32 s1, s23  }
0xd: {  	s23 =	simm.s32 $0x0;
	s8 =	sadd.s32 s4, s0;
	s4 =	sadd.s32 $0x18D800, s0  }
.Ltmp0:
0xe: {  	s0 =	sadd.s32 s7, s0;
	s28 =	smax.u32 s1, $0x1;
	(pc) =	sbr.rel .LBB2_1-.Ltmp0, $4  }
0xf: {  	s7 =	sadd.s32 s25, s2;
	s24 =	sadd.s32 $0xA200, s8;
	[dreg:$0x7] =	wrdreg s28  }
0x10: {  	s1 =	simm.s32 $0x9;
	s0 =	sadd.s32 $0x6E00, s0;
	[dreg:$0x4] =	wrdreg s24  }
0x11: {  	[dreg:$0x5] =	wrdreg s0;
	s0 =	sadd.s32 s5, s26;
	s24 =	simm.s32 $0xB100  }
0x12: {  	v0 =	vimm.f32 $0.0e+00;
	s26 =	simm.s32 $0xCA00;
	[dreg:$0x6] =	wrdreg s0;
	s0 =	simm.s32 $0x4  }
.LBB2_6:
0x13: {  	s3 =	simm.s32 $0x10  }
0x14: {  	_ =	swait.ge [sflag:s3], $0x1900  }
0x15: {  	[sflag:s3] =	ssyncset.done $0x0  }
0x16: {  	s25 =	simm.s32 $0x3398;
	[sflag:s3] =	ssyncadd.s32 $0xFFFFE700  }
0x17: {  	[spmem:s2] =	stream.indirect.scatter.add.f32 [tilespmem:s12], [sflag:$0x11], $0x40, s25, s13, $0xb8;
	[tilespmem:$0x13C00] =	vst v63  }
0x18: {  	_ =	swait.ge [sflag:s10], $0x1900  }
0x19: {  	[sflag:s10] =	ssyncset.done $0x0  }
0x1a: {  	[sflag:s10] =	ssyncadd.s32 $0xFFFFE700  }
0x1b: {  	[bflag:$0x0] =	sbarrier.arrive $0xFFFF  }
0x1c: {  	[tilespmem:s12], [sflag:$0x11] =	stream.linear.gather [spmem:s7], $0x2000, $0x38;
	[tilespmem:$0x13C00] =	vst v63  }
0x1d: {  	_ =	swait.ge [sflag:s10], $0x2000  }
0x1e: {  	[sflag:s10] =	ssyncset.done $0x0  }
0x1f: {  	s3 =	simm.s32 $0x0;
	s5 =	rddreg [dreg:$0x6];
	[sflag:s10] =	ssyncadd.s32 $0xFFFFE000  }
0x20: {  	[hbm4b:s5+s3] =	stream.linear.scatter [tilespmem:s12], [sflag:$0x11], $0x2000, $0x38;
	[tilespmem:$0x13C00] =	vst v63  }
0x21: {  	_ =	swait.ge [sflag:s10], $0x2000  }
0x22: {  	s23 =	sadd.s32 $0x1, s23;
	s28 =	rddreg [dreg:$0x7]  }
0x23: {  	p0 =	sne.s32 s23, s28  }
.Ltmp1:
0x24: {  	_ = 	snop;
	(pc) =	sbr.rel @!p0 .LBB2_7-.Ltmp1, $3  }
0x25: {  	_ =	sdelay $0x1  }
0x26: {  	[sflag:s10] =	ssyncset.done $0x0  }
0x27: {  	[sflag:s10] =	ssyncadd.s32 $0xFFFFE000  }
.LBB2_1:
0x28: {  	s5 =	rddreg [dreg:$0x4]  }
0x29: {  	[tilespmem:s3], [sflag:$0x11] =	stream.linear.gather [hbm4b:s5+s3], $0x1A00, $0x38;
	[tilespmem:$0x13C00] =	vst v63  }
0x2a: {  	_ =	swait.ge [sflag:s10], $0x1A00  }
0x2b: {  	[sflag:s10] =	ssyncset.done $0x0  }
0x2c: {  	s6 =	simm.s32 $0x1A00;
	s28 =	rddreg [dreg:$0x5];
	[sflag:s10] =	ssyncadd.s32 $0xFFFFE600  }
0x2d: {  	[tilespmem:s6], [sflag:$0x11] =	stream.linear.gather [hbm4b:s28+s3], $0x1A00, $0x38;
	[tilespmem:$0x13C00] =	vst v63  }
0x2e: {  	_ =	swait.ge [sflag:s10], $0x1A00  }
0x2f: {  	[sflag:s10] =	ssyncset.done $0x0  }
0x30: {  	s5 =	simm.s32 $0x0;
	s6 =	simm.s32 $0x100;
	[sflag:s10] =	ssyncadd.s32 $0xFFFFE600  }
.LBB2_2:
0x31: {  	p0 =	sne.s32 s6, $0x7F00;
	[tilespmem:s5+$0xFC30] =	vst v0;
	s8 =	smov.u32 s6;
	s6 =	sadd.s32 $0x100, s6  }
.Ltmp2:
0x32: {  	[tilespmem:s5+$0xFC20] =	vst v0;
	(pc) =	sbr.rel @p0 .LBB2_2-.Ltmp2, $3  }
0x33: {  	[tilespmem:s5+$0xFC00] =	vst v0  }
0x34: {  	[tilespmem:s5+$0xFC10] =	vst v0;
	_ =	sdelay $0x1  }
0x35: {  	s5 =	sshra.s32 s8, $0x2  }
0x36: {  	[tilespmem:s5+$0xFC30] =	vst v0  }
0x37: {  	[tilespmem:s5+$0xFC20] =	vst v0  }
0x38: {  	[tilespmem:s5+$0xFC00] =	vst v0  }
0x39: {  	[tilespmem:s5+$0xFC10] =	vst v0  }
0x3a: {  	[spmem:s7] =	stream.linear.scatter [tilespmem:s12], [sflag:$0x11], $0x2000, $0x38;
	[tilespmem:$0x13C00] =	vst v63  }
0x3b: {  	_ =	swait.ge [sflag:s10], $0x2000  }
0x3c: {  	[sflag:s10] =	ssyncset.done $0x0  }
0x3d: {  	s25 =	simm.s32 $0x0;
	[sflag:s10] =	ssyncadd.s32 $0xFFFFE000  }
0x3e: {  	[tilespmem:s14], [sflag:$0x1] =	stream.indirect.gather [hbm4b:s4+s13], $0x40, s25, s13, $0xb8;
	[tilespmem:$0x13C00] =	vst v63  }
0x3f: {  	s3 =	simm.s32 $0x68  }
0x40: {  	[tilespmem:s16], [sflag:$0x2] =	stream.indirect.gather [hbm4b:s4+s13], $0x40, s3, s13, $0xb8;
	[tilespmem:$0x13C00] =	vst v63  }
0x41: {  	s22 =	simm.s32 $0xD0;
	s28 =	simm.s32 $0x6600  }
0x42: {  	[tilespmem:s28], [sflag:$0x3] =	stream.indirect.gather [hbm4b:s4+s13], $0x40, s22, s13, $0xb8;
	[tilespmem:$0x13C00] =	vst v63  }
0x43: {  	s6 =	simm.s32 $0x138  }
0x44: {  	[tilespmem:s20], [sflag:$0x4] =	stream.indirect.gather [hbm4b:s4+s13], $0x40, s6, s13, $0xb8;
	[tilespmem:$0x13C00] =	vst v63  }
0x45: {  	s8 =	simm.s32 $0x1A0;
	s9 =	simm.s32 $0x9800  }
0x46: {  	[tilespmem:s9], [sflag:$0x5] =	stream.indirect.gather [hbm4b:s4+s13], $0x40, s8, s13, $0xb8;
	[tilespmem:$0x13C00] =	vst v63  }
0x47: {  	s21 =	simm.s32 $0x208  }
0x48: {  	[tilespmem:s24], [sflag:$0x6] =	stream.indirect.gather [hbm4b:s4+s13], $0x40, s21, s13, $0xb8;
	[tilespmem:$0x13C00] =	vst v63  }
0x49: {  	s22 =	simm.s32 $0x270  }
0x4a: {  	[tilespmem:s26], [sflag:$0x7] =	stream.indirect.gather [hbm4b:s4+s13], $0x40, s22, s13, $0xb8;
	[tilespmem:$0x13C00] =	vst v63  }
0x4b: {  	s28 =	simm.s32 $0x2D8  }
0x4c: {  	[tilespmem:s29], [sflag:$0x8] =	stream.indirect.gather [hbm4b:s4+s13], $0x40, s28, s13, $0xb8;
	[tilespmem:$0x13C00] =	vst v63  }
.LBB2_4:
0x4d: {  	_ =	swait.ge [sflag:s30], $0x1900  }
0x4e: {  	s28 =	sshra.s32 s25, $0x2;
	[sflag:s30] =	ssyncset.done $0x0  }
0x4f: {  	p0 =	seq.s32 s25, $0x0;
	s5 =	sadd.s32 $0x1A00, s28;
	[sflag:s30] =	ssyncadd.s32 $0xFFFFE700  }
0x50: {  	[spmem:s2] =	stream.indirect.scatter.add.f32 [tilespmem:s14], [sflag:$0x9], $0x40, s5, s13, $0xb8;
	[tilespmem:$0x13C00] =	vst v63  }
0x51: {  	s5 =	simm.s32 @!p0 $0x10  }
0x52: {  	_ =	swait.ge @!p0 [sflag:s5], $0x1900  }
0x53: {  	[sflag:s5] =	ssyncset.done @!p0 $0x0  }
0x54: {  	[sflag:s5] =	ssyncadd.s32 @!p0 $0xFFFFE700;
	s5 =	sshra.s32 @!p0 s25, $0x2  }
0x55: {  	s6 =	simm.s32 @!p0 $0x64;
	s8 =	simm.s32 @!p0 $0xE300;
	s5 =	sadd.s32 @!p0 $0x2D8, s5  }
0x56: {  	[tilespmem:s8], [sflag:$0x8] =	stream.indirect.gather @!p0 [hbm4b:s4+s6], $0x40, s5, s6, $0xb8;
	[tilespmem:$0x13C00] =	vst v63  }
0x57: {  	_ =	swait.ge [sflag:s31], $0x1900  }
0x58: {  	[sflag:s31] =	ssyncset.done $0x0  }
0x59: {  	s9 =	sadd.s32 $0x1A68, s28;
	[sflag:s31] =	ssyncadd.s32 $0xFFFFE700  }
0x5a: {  	[spmem:s2] =	stream.indirect.scatter.add.f32 [tilespmem:s16], [sflag:$0xA], $0x40, s9, s13, $0xb8;
	[tilespmem:$0x13C00] =	vst v63  }
0x5b: {  	_ =	swait.ge [sflag:s1], $0x1900  }
0x5c: {  	p0 =	seq.s32 s25, $0x5B00;
	[sflag:s1] =	ssyncset.done $0x0  }
0x5d: {  	s5 =	simm.s32 @p0 $0x3;
	[sflag:s1] =	ssyncadd.s32 $0xFFFFE700  }
0x5e: {  	_ =	swait.ge @p0 [sflag:s5], $0x1900  }
0x5f: {  	s6 =	sshra.s32 @p0 s25, $0x2;
	s8 =	simm.s32 @p0 $0x64;
	[sflag:s5] =	ssyncset.done @p0 $0x0  }
0x60: {  	s22 =	simm.s32 @p0 $0x6600;
	[sflag:s5] =	ssyncadd.s32 @p0 $0xFFFFE700;
	s5 =	sadd.s32 @p0 $0x1AD0, s6  }
0x61: {  	[spmem:s2] =	stream.indirect.scatter.add.f32 @p0 [tilespmem:s22], [sflag:$0xB], $0x40, s5, s8, $0xb8;
	[tilespmem:$0x13C00] =	vst v63  }
0x62: {  	s5 =	simm.s32 @p0 $0xA  }
0x63: {  	_ =	swait.ge @p0 [sflag:s5], $0x1900  }
0x64: {  	s3 =	simm.s32 @!p0 $0x3400;
	s22 =	sshra.s32 @!p0 s25, $0x2;
	[sflag:s5] =	ssyncset.done @p0 $0x0  }
0x65: {  	s9 =	sadd.s32 @!p0 $0x340, s22;
	[sflag:s5] =	ssyncadd.s32 @p0 $0xFFFFE700;
	s5 =	simm.s32 @!p0 $0x64  }
0x66: {  	[tilespmem:s3], [sflag:$0x1] =	stream.indirect.gather @!p0 [hbm4b:s4+s5], $0x40, s9, s5, $0xb8;
	[tilespmem:$0x13C00] =	vst v63  }
0x67: {  	s3 =	simm.s32 @!p0 $0x3  }
0x68: {  	_ =	swait.ge @!p0 [sflag:s3], $0x1900  }
0x69: {  	[sflag:s3] =	ssyncset.done @!p0 $0x0  }
0x6a: {  	s9 =	simm.s32 @!p0 $0x6600;
	[sflag:s3] =	ssyncadd.s32 @!p0 $0xFFFFE700;
	s3 =	sadd.s32 @!p0 $0x1AD0, s22  }
0x6b: {  	[spmem:s2] =	stream.indirect.scatter.add.f32 @!p0 [tilespmem:s9], [sflag:$0xB], $0x40, s3, s5, $0xb8;
	[tilespmem:$0x13C00] =	vst v63  }
0x6c: {  	s3 =	simm.s32 @!p0 $0xA  }
0x6d: {  	_ =	swait.ge @!p0 [sflag:s3], $0x1900  }
0x6e: {  	[sflag:s3] =	ssyncset.done @!p0 $0x0  }
0x6f: {  	s21 =	simm.s32 @!p0 $0x4D00;
	[sflag:s3] =	ssyncadd.s32 @!p0 $0xFFFFE700;
	s3 =	sadd.s32 @!p0 $0x3A8, s22  }
0x70: {  	[tilespmem:s21], [sflag:$0x2] =	stream.indirect.gather @!p0 [hbm4b:s4+s5], $0x40, s3, s5, $0xb8;
	[tilespmem:$0x13C00] =	vst v63  }
0x71: {  	_ =	swait.ge [sflag:s0], $0x1900  }
0x72: {  	[sflag:s0] =	ssyncset.done $0x0  }
0x73: {  	s21 =	sadd.s32 $0x1B38, s28;
	[sflag:s0] =	ssyncadd.s32 $0xFFFFE700  }
0x74: {  	[spmem:s2] =	stream.indirect.scatter.add.f32 [tilespmem:s20], [sflag:$0xC], $0x40, s21, s13, $0xb8;
	[tilespmem:$0x13C00] =	vst v63  }
0x75: {  	_ =	swait.ge [sflag:s11], $0x1900  }
0x76: {  	[sflag:s11] =	ssyncset.done $0x0  }
0x77: {  	s3 =	simm.s32 @p0 $0x5;
	[sflag:s11] =	ssyncadd.s32 $0xFFFFE700  }
0x78: {  	_ =	swait.ge @p0 [sflag:s3], $0x1900  }
0x79: {  	[sflag:s3] =	ssyncset.done @p0 $0x0  }
0x7a: {  	s21 =	simm.s32 @p0 $0x9800;
	[sflag:s3] =	ssyncadd.s32 @p0 $0xFFFFE700;
	s3 =	sadd.s32 @p0 $0x1BA0, s6  }
0x7b: {  	[spmem:s2] =	stream.indirect.scatter.add.f32 @p0 [tilespmem:s21], [sflag:$0xD], $0x40, s3, s8, $0xb8;
	[tilespmem:$0x13C00] =	vst v63  }
0x7c: {  	s3 =	simm.s32 @p0 $0xC  }
0x7d: {  	_ =	swait.ge @p0 [sflag:s3], $0x1900  }
0x7e: {  	[sflag:s3] =	ssyncset.done @p0 $0x0  }
0x7f: {  	[sflag:s3] =	ssyncadd.s32 @p0 $0xFFFFE700;
	s3 =	sadd.s32 @!p0 $0x410, s22  }
0x80: {  	[tilespmem:s9], [sflag:$0x3] =	stream.indirect.gather @!p0 [hbm4b:s4+s5], $0x40, s3, s5, $0xb8;
	[tilespmem:$0x13C00] =	vst v63  }
0x81: {  	s3 =	simm.s32 @!p0 $0x5  }
0x82: {  	_ =	swait.ge @!p0 [sflag:s3], $0x1900  }
0x83: {  	[sflag:s3] =	ssyncset.done @!p0 $0x0  }
0x84: {  	s9 =	simm.s32 @!p0 $0x9800;
	[sflag:s3] =	ssyncadd.s32 @!p0 $0xFFFFE700;
	s3 =	sadd.s32 @!p0 $0x1BA0, s22  }
0x85: {  	[spmem:s2] =	stream.indirect.scatter.add.f32 @!p0 [tilespmem:s9], [sflag:$0xD], $0x40, s3, s5, $0xb8;
	[tilespmem:$0x13C00] =	vst v63  }
0x86: {  	s3 =	simm.s32 @!p0 $0xC  }
0x87: {  	_ =	swait.ge @!p0 [sflag:s3], $0x1900  }
0x88: {  	[sflag:s3] =	ssyncset.done @!p0 $0x0  }
0x89: {  	s21 =	simm.s32 @!p0 $0x7F00;
	[sflag:s3] =	ssyncadd.s32 @!p0 $0xFFFFE700;
	s3 =	sadd.s32 @!p0 $0x478, s22  }
0x8a: {  	[tilespmem:s21], [sflag:$0x4] =	stream.indirect.gather @!p0 [hbm4b:s4+s5], $0x40, s3, s5, $0xb8;
	[tilespmem:$0x13C00] =	vst v63  }
0x8b: {  	_ =	swait.ge [sflag:s15], $0x1900  }
0x8c: {  	[sflag:s15] =	ssyncset.done $0x0  }
0x8d: {  	s21 =	sadd.s32 $0x1C08, s28;
	[sflag:s15] =	ssyncadd.s32 $0xFFFFE700  }
0x8e: {  	[spmem:s2] =	stream.indirect.scatter.add.f32 [tilespmem:s24], [sflag:$0xE], $0x40, s21, s13, $0xb8;
	[tilespmem:$0x13C00] =	vst v63  }
0x8f: {  	_ =	swait.ge [sflag:s17], $0x1900  }
0x90: {  	[sflag:s17] =	ssyncset.done $0x0  }
0x91: {  	s3 =	simm.s32 @p0 $0x7;
	[sflag:s17] =	ssyncadd.s32 $0xFFFFE700  }
0x92: {  	_ =	swait.ge @p0 [sflag:s3], $0x1900  }
0x93: {  	[sflag:s3] =	ssyncset.done @p0 $0x0  }
0x94: {  	[sflag:s3] =	ssyncadd.s32 @p0 $0xFFFFE700;
	s3 =	sadd.s32 @p0 $0x1C70, s6;
	s6 =	simm.s32 @p0 $0xCA00  }
0x95: {  	[spmem:s2] =	stream.indirect.scatter.add.f32 @p0 [tilespmem:s6], [sflag:$0xF], $0x40, s3, s8, $0xb8;
	[tilespmem:$0x13C00] =	vst v63  }
0x96: {  	s3 =	simm.s32 @p0 $0xE  }
0x97: {  	_ =	swait.ge @p0 [sflag:s3], $0x1900  }
0x98: {  	[sflag:s3] =	ssyncset.done @p0 $0x0  }
0x99: {  	[sflag:s3] =	ssyncadd.s32 @p0 $0xFFFFE700;
	s3 =	sadd.s32 @!p0 $0x4E0, s22  }
0x9a: {  	[tilespmem:s9], [sflag:$0x5] =	stream.indirect.gather @!p0 [hbm4b:s4+s5], $0x40, s3, s5, $0xb8;
	[tilespmem:$0x13C00] =	vst v63  }
0x9b: {  	s3 =	simm.s32 @!p0 $0x7  }
0x9c: {  	_ =	swait.ge @!p0 [sflag:s3], $0x1900  }
0x9d: {  	[sflag:s3] =	ssyncset.done @!p0 $0x0  }
0x9e: {  	s6 =	simm.s32 @!p0 $0xCA00;
	[sflag:s3] =	ssyncadd.s32 @!p0 $0xFFFFE700;
	s3 =	sadd.s32 @!p0 $0x1C70, s22  }
0x9f: {  	[spmem:s2] =	stream.indirect.scatter.add.f32 @!p0 [tilespmem:s6], [sflag:$0xF], $0x40, s3, s5, $0xb8;
	[tilespmem:$0x13C00] =	vst v63  }
0xa0: {  	s3 =	simm.s32 @!p0 $0xE  }
0xa1: {  	_ =	swait.ge @!p0 [sflag:s3], $0x1900  }
0xa2: {  	[sflag:s3] =	ssyncset.done @!p0 $0x0  }
0xa3: {  	s6 =	simm.s32 @!p0 $0xB100;
	[sflag:s3] =	ssyncadd.s32 @!p0 $0xFFFFE700;
	s3 =	sadd.s32 @!p0 $0x548, s22  }
0xa4: {  	[tilespmem:s6], [sflag:$0x6] =	stream.indirect.gather @!p0 [hbm4b:s4+s5], $0x40, s3, s5, $0xb8;
	[tilespmem:$0x13C00] =	vst v63  }
0xa5: {  	_ =	swait.ge [sflag:s18], $0x1900  }
0xa6: {  	[sflag:s18] =	ssyncset.done $0x0  }
.Ltmp3:
0xa7: {  	s22 =	sadd.s32 $0x1CD8, s28;
	[sflag:s18] =	ssyncadd.s32 $0xFFFFE700;
	(pc) =	sbr.rel @p0 .LBB2_6-.Ltmp3, $4  }
0xa8: {  	[spmem:s2] =	stream.indirect.scatter.add.f32 [tilespmem:s29], [sflag:$0x10], $0x40, s22, s13, $0xb8;
	[tilespmem:$0x13C00] =	vst v63  }
0xa9: {  	_ =	swait.ge [sflag:s19], $0x1900  }
0xaa: {  	[sflag:s19] =	ssyncset.done $0x0  }
0xab: {  	[sflag:s19] =	ssyncadd.s32 $0xFFFFE700  }
.Ltmp4:
0xac: {  	(pc) =	sbr.rel .LBB2_4-.Ltmp4, $3  }
0xad: {  	_ =	sdelay $0x1  }
0xae: {  	s3 =	sadd.s32 $0x5B0, s28;
	s25 =	sadd.s32 $0xD00, s25  }
0xaf: {  	[tilespmem:s26], [sflag:$0x7] =	stream.indirect.gather [hbm4b:s4+s13], $0x40, s3, s13, $0xb8;
	[tilespmem:$0x13C00] =	vst v63  }
.LBB2_7:
0xb0: {  	_ =	sfence.sel $0x180000  }
0xb1: {  	[bflag:$0x0] =	sbarrier.arrive $0xFFFF  }
0xb2: {  	_ =	strace $0x9000004A  }
0xb3: {  	s0 =	stileid.u32;
	[bflag:$0x2] =	sbarrier.arrive $0xFFFF  }
0xb4: {  	p0 =	sne.s32 s0, $0x0;
	s0 =	rddreg [dreg:$0x3]  }
0xb5: {  	s0 =	sadd.s32 @!p0 $0x100000, s0  }
0xb6: {  	[sflag:s0] =	ssyncadd.tile.s32 @!p0 $0x1;
	_ =	shalt  }
.Lfunc_end2:
_tile_overlayer_lowered:
.L_overlay_start_2:
0xb7: {  	(tag) =	ssettag $0x2  }
0xb8: {  	s0 =	rddreg [dreg:$0x0];
	s2 =	stileid.u32  }
0xb9: {  	s1 =	rddreg [dreg:$0x1];
	p0 =	sne.s32 s2, $0x0  }
0xba: {  	s3 =	rddreg [dreg:$0x2];
	[bflag:$0x3] =	sbarrier.arrive $0xFFFF;
	s2 =	simm.s32 @!p0 $0x1C11  }
0xbb: {  	[timem:s3], [sflag:s2] =	dma.local @!p0 [hbm:s0], s1  }
0xbc: {  	s0 =	simm.s32 @!p0 $0x11  }
0xbd: {  	_ =	swait.ge @!p0 [sflag:s0], s1  }
0xbe: {  	s1 =	ssub.s32 @!p0 $0x0, s1;
	[sflag:s0] =	ssyncset.done @!p0 $0x0  }
0xbf: {  	[sflag:s0] =	ssyncadd.s32 @!p0 s1  }
0xc0: {  	[bflag:$0x3] =	sbarrier.arrive $0xFFFF  }
0xc1: {  	_ =	shalt  }

</sc_bundles>
